<compile_context>
chip_gen: v7x
topology: tpu7x:2x2x1
jax: 0.10.2.dev20260603
libtpu: 0.0.44.dev20260713+nightly
codegen_flags: <defaults>
</compile_context>

<pallas_src>
import functools

import jax
import jax.numpy as jnp
from jax import lax
from jax.experimental import pallas as pl
from jax.experimental.pallas import tpu as pltpu
from jax.experimental.pallas import tpu_sc as plsc

_EPS = 0.1

_SC_INFO = plsc.get_sparse_core_info()
_NC, _NS, _L = _SC_INFO.num_cores, _SC_INFO.num_subcores, _SC_INFO.num_lanes
_NW = _NC * _NS

_CB = 8448
_C_SC = 4 * _CB
_SC_CHUNK = 4224
_RB = 128


def _make_sc_cols(B, C):
    rows_per_w = B // _NW
    n_bands = rows_per_w // 8
    n_chunks = _C_SC // _SC_CHUNK
    n_tiles = _SC_CHUNK // 128
    hi = (1.0 - _EPS) + _EPS / C
    lo = _EPS / C
    mesh = plsc.VectorSubcoreMesh(core_axis_name="c", subcore_axis_name="s")

    @functools.partial(
        pl.kernel,
        mesh=mesh,
        compiler_params=pltpu.CompilerParams(use_tc_tiling_on_sc=True),
        out_type=[
            jax.ShapeDtypeStruct((B * _L,), jnp.float32),
            jax.ShapeDtypeStruct((B * _L,), jnp.float32),
        ],
        scratch_types=[
            pltpu.VMEM((8, _SC_CHUNK), jnp.float32),
            pltpu.VMEM((8, _SC_CHUNK), jnp.float32),
            pltpu.VMEM((rows_per_w * _L,), jnp.int32),
            pltpu.VMEM((rows_per_w * _L,), jnp.float32),
            pltpu.VMEM((rows_per_w * _L,), jnp.float32),
            pltpu.SemaphoreType.DMA,
            pltpu.SemaphoreType.DMA,
        ],
    )
    def sc_k(x_hbm, tsplat_hbm, s_hbm, w_hbm,
             buf0, buf1, tgt_v, s_stage, w_stage, sem0, sem1):
        wid = lax.axis_index("s") * _NC + lax.axis_index("c")
        row_base = wid * rows_per_w
        pltpu.sync_copy(
            tsplat_hbm.at[pl.ds(row_base * _L, rows_per_w * _L)], tgt_v
        )
        lane = lax.iota(jnp.int32, _L)
        zeros = jnp.zeros((_L,), jnp.float32)

        def zero_stage(r2, _):
            s_stage[pl.ds(r2 * _L, _L)] = zeros
            w_stage[pl.ds(r2 * _L, _L)] = zeros
            return 0

        lax.fori_loop(0, rows_per_w, zero_stage, 0)

        n_pairs = n_bands * n_chunks

        def src(idx):
            k = idx // n_chunks
            c = idx % n_chunks
            row8 = pl.multiple_of(row_base + 8 * k, 8)
            col = pl.multiple_of(c * _SC_CHUNK, 128)
            return x_hbm.at[pl.ds(row8, 8), pl.ds(col, _SC_CHUNK)]

        pltpu.async_copy(src(0), buf0, sem0)
        pltpu.async_copy(src(1), buf1, sem1)

        def outer(ii, _):
            for b, (buf, sem) in enumerate(((buf0, sem0), (buf1, sem1))):
                idx = ii * 2 + b
                pltpu.make_async_copy(src(idx), buf, sem).wait()
                k = idx // n_chunks
                c = idx % n_chunks
                ids_init = (c * _SC_CHUNK) + lane

                def rows_body(r, _r):
                    lr = k * 8 + r
                    tspl = tgt_v[pl.ds(lr * _L, _L)]
                    s_acc = s_stage[pl.ds(lr * _L, _L)]
                    w_acc = w_stage[pl.ds(lr * _L, _L)]

                    def body(n, carry):
                        s_a, w_a, ids0 = carry
                        col = n * 128
                        for j in range(8):
                            x = buf[r, pl.ds(col + j * _L, _L)]
                            s_a = s_a + jnp.exp(x)
                            ids = ids0 + j * _L
                            coef = jnp.where(ids == tspl, hi, lo)
                            w_a = w_a + x * coef
                        return (s_a, w_a, ids0 + 128)

                    s_acc, w_acc, _c2 = lax.fori_loop(
                        0, n_tiles, body, (s_acc, w_acc, ids_init)
                    )
                    s_stage[pl.ds(lr * _L, _L)] = s_acc
                    w_stage[pl.ds(lr * _L, _L)] = w_acc
                    return 0

                lax.fori_loop(0, 8, rows_body, 0)

                @pl.when(idx + 2 < n_pairs)
                def _refill():
                    pltpu.async_copy(src(idx + 2), buf, sem)

            return 0

        lax.fori_loop(0, n_pairs // 2, outer, 0)

        pltpu.sync_copy(s_stage, s_hbm.at[pl.ds(row_base * _L, rows_per_w * _L)])
        pltpu.sync_copy(w_stage, w_hbm.at[pl.ds(row_base * _L, rows_per_w * _L)])

    return sc_k


def _tc_body(x_ref, t_ref, s_out, w_out, s_acc, w_acc):
    j = pl.program_id(1)
    nj = pl.num_programs(1)
    x = x_ref[...]
    C = 100000
    hi = (1.0 - _EPS) + _EPS / C
    lo = _EPS / C
    ids = jax.lax.broadcasted_iota(jnp.int32, x.shape, 1) + (
        j * _CB + _C_SC
    )
    tgt = t_ref[...]

    def accum(bs, bw):
        @pl.when(j == 0)
        def _init():
            s_acc[...] = bs
            w_acc[...] = bw

        @pl.when(j > 0)
        def _add():
            s_acc[...] += bs
            w_acc[...] += bw

    @pl.when(j < nj - 1)
    def _unmasked():
        bs = jnp.sum(jnp.exp(x), axis=1, keepdims=True)
        coef = jnp.where(ids == tgt, hi, lo)
        bw = jnp.sum(x * coef, axis=1, keepdims=True)
        accum(bs, bw)

    @pl.when(j == nj - 1)
    def _masked_last():
        mask = ids < C
        xm = jnp.where(mask, x, 0.0)
        e = jnp.where(mask, jnp.exp(x), 0.0)
        bs = jnp.sum(e, axis=1, keepdims=True)
        coef = jnp.where(ids == tgt, hi, lo)
        bw = jnp.sum(xm * coef, axis=1, keepdims=True)
        accum(bs, bw)
        s_out[...] = s_acc[...]
        w_out[...] = w_acc[...]


@jax.jit
def kernel(inputs, targets, all_posvid):
    del all_posvid
    B, C = inputs.shape

    tsplat = jnp.broadcast_to(targets[:, None], (B, _L)).reshape(-1)
    x_sc = jax.lax.slice(inputs, (0, 0), (B, _C_SC))
    s_sc_flat, w_sc_flat = _make_sc_cols(B, C)(x_sc, tsplat)

    n_cb = (C - _C_SC + _CB - 1) // _CB
    s_tc, w_tc = pl.pallas_call(
        _tc_body,
        grid=(B // _RB, n_cb),
        in_specs=[
            pl.BlockSpec((_RB, _CB), lambda i, j: (i, j + _C_SC // _CB)),
            pl.BlockSpec((_RB, 1), lambda i, j: (i, 0)),
        ],
        out_specs=[
            pl.BlockSpec((_RB, 1), lambda i, j: (i, 0)),
            pl.BlockSpec((_RB, 1), lambda i, j: (i, 0)),
        ],
        out_shape=[
            jax.ShapeDtypeStruct((B, 1), jnp.float32),
            jax.ShapeDtypeStruct((B, 1), jnp.float32),
        ],
        scratch_shapes=[
            pltpu.VMEM((_RB, 1), jnp.float32),
            pltpu.VMEM((_RB, 1), jnp.float32),
        ],
    )(inputs, targets.reshape(B, 1))

    s_row = s_tc[:, 0] + s_sc_flat.reshape(B, _L).sum(axis=1)
    w_row = w_tc[:, 0] + w_sc_flat.reshape(B, _L).sum(axis=1)
    return jnp.mean(jnp.log(s_row) - w_row)

# --- scband reference (transcript-rebuilt; emitter-appended) ---
"""Pipeline reference for scband-cross-entropy-label-smooth-81320910782918 (READ-ONLY COPY).

The authoritative reference and input builder live on the scoring server;
editing this copy changes nothing except your own understanding.
"""

import jax, jax.numpy as jnp
import numpy as np

EPSILON = 0.1
SOFT_LAMBDA = 0.2


def setup_inputs(seed: int = 0) -> dict:
    key = jax.random.key(seed)
    k1, k2, k3 = jax.random.split(key, 3)
    B, C, P = 1024, 100000, 50
    inputs = jax.random.normal(k1, (B, C), dtype=jnp.float32)
    targets = jax.random.randint(k2, (B,), 0, C, dtype=jnp.int32)
    all_posvid = jax.random.randint(k3, (B, P), 0, C, dtype=jnp.int32)
    return {"inputs": inputs, "targets": targets, "all_posvid": all_posvid}


def reference(inputs, targets, all_posvid):
    B, C = inputs.shape
    P = all_posvid.shape[1]
    # soft_targets: per-row unique+counts then scatter of soft_lambda*count/sum_count
    # is equivalent to scatter-add of soft_lambda/P for every occurrence (sum_count == P).
    rows = jnp.arange(B, dtype=jnp.int32)[:, None]
    soft_targets = jnp.zeros((B, C), dtype=inputs.dtype).at[rows, all_posvid].add(SOFT_LAMBDA / P)
    log_probs = jax.nn.log_softmax(inputs, axis=1)
    onehot = jnp.zeros((B, C), dtype=log_probs.dtype).at[jnp.arange(B), targets].set(1.0)
    # soft_label=False path (default): soft_targets computed but not used in loss
    t = (1.0 - EPSILON) * onehot + EPSILON / C
    loss = (-t * log_probs).mean(0).sum()
    return loss

if __name__ == "__main__":
    import jax
    _d = setup_inputs()
    print(jax.jit(kernel)(*tuple(_d.values())))

</pallas_src>

<mosaic_0001>
#map = affine_map<(d0, d1) -> (0, 0)>
#map1 = affine_map<(d0, d1) -> (0)>
module attributes {stable_mosaic.version = 14 : i64} {
  func.func @sc_k(%arg0: i32, %arg1: i32, %arg2: memref<1024x33792xf32, #tpu.memory_space<hbm>>, %arg3: memref<16384xi32, #tpu.memory_space<hbm>>, %arg4: memref<16384xf32, #tpu.memory_space<hbm>>, %arg5: memref<16384xf32, #tpu.memory_space<hbm>>, %arg6: memref<8x4224xf32, #tpu.memory_space<vmem>>, %arg7: memref<8x4224xf32, #tpu.memory_space<vmem>>, %arg8: memref<512xi32, #tpu.memory_space<vmem>>, %arg9: memref<512xf32, #tpu.memory_space<vmem>>, %arg10: memref<512xf32, #tpu.memory_space<vmem>>, %arg11: memref<!tpu.dma_semaphore, #tpu.memory_space<semaphore_mem>>, %arg12: memref<!tpu.dma_semaphore, #tpu.memory_space<semaphore_mem>>) attributes {dimension_semantics = [#tpu.dimension_semantics<core_parallel>, #tpu.dimension_semantics<subcore_parallel>], iteration_bounds = array<i64: 2, 16>, scalar_prefetch = 0 : i64, scratch_operands = 7 : i64, tpu.core_type = #tpu.core_type<sc_vector_subcore>, window_params = [{transform_indices = #map}, {transform_indices = #map1}, {transform_indices = #map1}, {transform_indices = #map1}]} {
    %mul3A = arith.constant 2 : i32
    %mul3A_0 = arith.muli %arg1, %mul3A : i32
    %add3A = arith.addi %mul3A_0, %arg0 : i32
    %mul3A_1 = arith.constant 32 : i32
    %mul3A_2 = arith.muli %add3A, %mul3A_1 : i32
    %mul3A_3 = arith.constant 16 : i32
    %mul3A_4 = arith.muli %mul3A_2, %mul3A_3 : i32
    "tpu.region"() ({
      %run_scoped3A = tpu.sem_alloc : memref<!tpu.dma_semaphore, #tpu.memory_space<semaphore_mem>>
      %dma_start3A_35 = tpu.memref_slice %arg3[%mul3A_4] : memref<16384xi32, #tpu.memory_space<hbm>> -> memref<512xi32, #tpu.memory_space<hbm>>
      %dma_start3A_36 = tpu.memref_slice %arg3[%mul3A_4] : memref<16384xi32, #tpu.memory_space<hbm>> -> memref<512xi32, #tpu.memory_space<hbm>>
      tpu.enqueue_dma source(%dma_start3A_36 : memref<512xi32, #tpu.memory_space<hbm>>) target(%arg8 : memref<512xi32, #tpu.memory_space<vmem>>) target_semaphore(%run_scoped3A : memref<!tpu.dma_semaphore, #tpu.memory_space<semaphore_mem>>)
      %dma_wait3A = tpu.memref_slice %arg3[%mul3A_4] : memref<16384xi32, #tpu.memory_space<hbm>> -> memref<512xi32, #tpu.memory_space<hbm>>
      %dma_wait3A_37 = tpu.memref_slice %arg3[%mul3A_4] : memref<16384xi32, #tpu.memory_space<hbm>> -> memref<512xi32, #tpu.memory_space<hbm>>
      tpu.wait_dma2 semaphore(%run_scoped3A : memref<!tpu.dma_semaphore, #tpu.memory_space<semaphore_mem>>) src(%dma_wait3A_37 : memref<512xi32, #tpu.memory_space<hbm>>) dst(%arg8 : memref<512xi32, #tpu.memory_space<vmem>>)
      tpu.yield
    }) : () -> ()
    %iota3A = tpu.iota {dimensions = array<i32: 0>} : vector<16xi32>
    %broadcast_in_dim3A = arith.constant 0.000000e+00 : f32
    %broadcast_in_dim3A_5 = vector.broadcast %broadcast_in_dim3A : f32 to vector<16xf32>
    %scan3A = arith.constant 0 : i32
    %scan3A_6 = arith.constant 0 : i32
    %scan3A_7 = arith.constant 32 : i32
    %scan3A_8 = arith.addi %scan3A_6, %scan3A_7 : i32
    %scan3A_9 = arith.constant 1 : i32
    %scan3A_10 = scf.for %scan3A_35 = %scan3A_6 to %scan3A_8 step %scan3A_9 iter_args(%scan3A_36 = %scan3A) -> (i32)  : i32 {
      %mul3A_37 = arith.constant 16 : i32
      %mul3A_38 = arith.muli %scan3A_35, %mul3A_37 : i32
      %swap3A = arith.index_cast %mul3A_38 : i32 to index
      %swap3A_39 = tpu.vector_load %arg9[%swap3A] {strides = array<i32>} : memref<512xf32, #tpu.memory_space<vmem>>, vector<16xf32>,
      %swap3A_40 = vector.shape_cast %swap3A_39 : vector<16xf32> to vector<16xf32>
      %swap3A_41 = vector.shape_cast %broadcast_in_dim3A_5 : vector<16xf32> to vector<16xf32>
      tpu.vector_store %arg9[%swap3A], %swap3A_41 {strides = array<i32>} : memref<512xf32, #tpu.memory_space<vmem>>, vector<16xf32>,
      %mul3A_42 = arith.constant 16 : i32
      %mul3A_43 = arith.muli %scan3A_35, %mul3A_42 : i32
      %swap3A_44 = arith.index_cast %mul3A_43 : i32 to index
      %swap3A_45 = tpu.vector_load %arg10[%swap3A_44] {strides = array<i32>} : memref<512xf32, #tpu.memory_space<vmem>>, vector<16xf32>,
      %swap3A_46 = vector.shape_cast %swap3A_45 : vector<16xf32> to vector<16xf32>
      %swap3A_47 = vector.shape_cast %broadcast_in_dim3A_5 : vector<16xf32> to vector<16xf32>
      tpu.vector_store %arg10[%swap3A_44], %swap3A_47 {strides = array<i32>} : memref<512xf32, #tpu.memory_space<vmem>>, vector<16xf32>,
      %scan3A_48 = arith.constant 0 : i32
      scf.yield %scan3A_48 : i32
    }
    %scan3A_11 = arith.constant 32 : i32
    %add3A_12 = arith.constant 0 : i32
    %add3A_13 = arith.addi %mul3A_2, %add3A_12 : i32
    %multiple_of3A = tpu.assume_multiple %add3A_13, 8 : i32
    %multiple_of3A_14 = arith.constant 0 : i32
    %multiple_of3A_15 = tpu.assume_multiple %multiple_of3A_14, 128 : i32
    %dma_start3A = tpu.memref_slice %arg2[%multiple_of3A, %multiple_of3A_15] : memref<1024x33792xf32, #tpu.memory_space<hbm>> -> memref<8x4224xf32, #tpu.memory_space<hbm>>
    %dma_start3A_16 = tpu.memref_slice %arg2[%multiple_of3A, %multiple_of3A_15] : memref<1024x33792xf32, #tpu.memory_space<hbm>> -> memref<8x4224xf32, #tpu.memory_space<hbm>>
    tpu.enqueue_dma source(%dma_start3A_16 : memref<8x4224xf32, #tpu.memory_space<hbm>>) target(%arg6 : memref<8x4224xf32, #tpu.memory_space<vmem>>) target_semaphore(%arg11 : memref<!tpu.dma_semaphore, #tpu.memory_space<semaphore_mem>>)
    %add3A_17 = arith.constant 0 : i32
    %add3A_18 = arith.addi %mul3A_2, %add3A_17 : i32
    %multiple_of3A_19 = tpu.assume_multiple %add3A_18, 8 : i32
    %multiple_of3A_20 = arith.constant 4224 : i32
    %multiple_of3A_21 = tpu.assume_multiple %multiple_of3A_20, 128 : i32
    %dma_start3A_22 = tpu.memref_slice %arg2[%multiple_of3A_19, %multiple_of3A_21] : memref<1024x33792xf32, #tpu.memory_space<hbm>> -> memref<8x4224xf32, #tpu.memory_space<hbm>>
    %dma_start3A_23 = tpu.memref_slice %arg2[%multiple_of3A_19, %multiple_of3A_21] : memref<1024x33792xf32, #tpu.memory_space<hbm>> -> memref<8x4224xf32, #tpu.memory_space<hbm>>
    tpu.enqueue_dma source(%dma_start3A_23 : memref<8x4224xf32, #tpu.memory_space<hbm>>) target(%arg7 : memref<8x4224xf32, #tpu.memory_space<vmem>>) target_semaphore(%arg12 : memref<!tpu.dma_semaphore, #tpu.memory_space<semaphore_mem>>)
    %scan3A_24 = arith.constant 0 : i32
    %scan3A_25 = arith.constant 0 : i32
    %scan3A_26 = arith.constant 16 : i32
    %scan3A_27 = arith.addi %scan3A_25, %scan3A_26 : i32
    %scan3A_28 = arith.constant 1 : i32
    %scan3A_29 = scf.for %scan3A_35 = %scan3A_25 to %scan3A_27 step %scan3A_28 iter_args(%scan3A_36 = %scan3A_24) -> (i32)  : i32 {
      %mul3A_37 = arith.constant 2 : i32
      %mul3A_38 = arith.muli %scan3A_35, %mul3A_37 : i32
      %add3A_39 = arith.constant 0 : i32
      %add3A_40 = arith.addi %mul3A_38, %add3A_39 : i32
      %jit3A = arith.constant 8 : i32
      %div3A = arith.divsi %add3A_40, %jit3A : i32
      %sign3A = arith.constant 0 : i32
      %sign3A_41 = arith.cmpi sgt, %add3A_40, %sign3A : i32
      %sign3A_42 = arith.extui %sign3A_41 : i1 to i32
      %sign3A_43 = arith.constant 0 : i32
      %sign3A_44 = arith.cmpi slt, %add3A_40, %sign3A_43 : i32
      %sign3A_45 = arith.extui %sign3A_44 : i1 to i32
      %sign3A_46 = arith.subi %sign3A_42, %sign3A_45 : i32
      %sign3A_47 = arith.constant 0 : i32
      %sign3A_48 = arith.cmpi sgt, %jit3A, %sign3A_47 : i32
      %sign3A_49 = arith.extui %sign3A_48 : i1 to i32
      %sign3A_50 = arith.constant 0 : i32
      %sign3A_51 = arith.cmpi slt, %jit3A, %sign3A_50 : i32
      %sign3A_52 = arith.extui %sign3A_51 : i1 to i32
      %sign3A_53 = arith.subi %sign3A_49, %sign3A_52 : i32
      %ne3A = arith.cmpi ne, %sign3A_46, %sign3A_53 : i32
      %rem3A = arith.remsi %add3A_40, %jit3A : i32
      %ne3A_54 = arith.constant 0 : i32
      %ne3A_55 = arith.cmpi ne, %rem3A, %ne3A_54 : i32
      %and3A = arith.andi %ne3A, %ne3A_55 : i1
      %sub3A = arith.constant 1 : i32
      %sub3A_56 = arith.subi %div3A, %sub3A : i32
      %select_n3A = arith.select %and3A, %sub3A_56, %div3A : i32
      %jit3A_57 = arith.constant 8 : i32
      %eq3A = arith.constant 0 : i32
      %eq3A_58 = arith.cmpi eq, %jit3A_57, %eq3A : i32
      %jit3A_59 = arith.constant 1 : i32
      %select_n3A_60 = arith.select %eq3A_58, %jit3A_59, %jit3A_57 : i32
      %rem3A_61 = arith.remsi %add3A_40, %select_n3A_60 : i32
      %ne3A_62 = arith.constant 0 : i32
      %ne3A_63 = arith.cmpi ne, %rem3A_61, %ne3A_62 : i32
      %lt3A = arith.constant 0 : i32
      %lt3A_64 = arith.cmpi slt, %rem3A_61, %lt3A : i32
      %lt3A_65 = arith.constant 0 : i32
      %lt3A_66 = arith.cmpi slt, %select_n3A_60, %lt3A_65 : i32
      %ne3A_67 = arith.xori %lt3A_64, %lt3A_66 : i1
      %and3A_68 = arith.andi %ne3A_67, %ne3A_63 : i1
      %add3A_69 = arith.addi %rem3A_61, %select_n3A_60 : i32
      %select_n3A_70 = arith.select %and3A_68, %add3A_69, %rem3A_61 : i32
      %mul3A_71 = arith.constant 8 : i32
      %mul3A_72 = arith.muli %mul3A_71, %select_n3A : i32
      %add3A_73 = arith.addi %mul3A_2, %mul3A_72 : i32
      %multiple_of3A_74 = tpu.assume_multiple %add3A_73, 8 : i32
      %mul3A_75 = arith.constant 4224 : i32
      %mul3A_76 = arith.muli %select_n3A_70, %mul3A_75 : i32
      %multiple_of3A_77 = tpu.assume_multiple %mul3A_76, 128 : i32
      %dma_wait3A = tpu.memref_slice %arg2[%multiple_of3A_74, %multiple_of3A_77] : memref<1024x33792xf32, #tpu.memory_space<hbm>> -> memref<8x4224xf32, #tpu.memory_space<hbm>>
      %dma_wait3A_78 = tpu.memref_slice %arg2[%multiple_of3A_74, %multiple_of3A_77] : memref<1024x33792xf32, #tpu.memory_space<hbm>> -> memref<8x4224xf32, #tpu.memory_space<hbm>>
      tpu.wait_dma2 semaphore(%arg11 : memref<!tpu.dma_semaphore, #tpu.memory_space<semaphore_mem>>) src(%dma_wait3A_78 : memref<8x4224xf32, #tpu.memory_space<hbm>>) dst(%arg6 : memref<8x4224xf32, #tpu.memory_space<vmem>>)
      %jit3A_79 = arith.constant 8 : i32
      %div3A_80 = arith.divsi %add3A_40, %jit3A_79 : i32
      %sign3A_81 = arith.constant 0 : i32
      %sign3A_82 = arith.cmpi sgt, %add3A_40, %sign3A_81 : i32
      %sign3A_83 = arith.extui %sign3A_82 : i1 to i32
      %sign3A_84 = arith.constant 0 : i32
      %sign3A_85 = arith.cmpi slt, %add3A_40, %sign3A_84 : i32
      %sign3A_86 = arith.extui %sign3A_85 : i1 to i32
      %sign3A_87 = arith.subi %sign3A_83, %sign3A_86 : i32
      %sign3A_88 = arith.constant 0 : i32
      %sign3A_89 = arith.cmpi sgt, %jit3A_79, %sign3A_88 : i32
      %sign3A_90 = arith.extui %sign3A_89 : i1 to i32
      %sign3A_91 = arith.constant 0 : i32
      %sign3A_92 = arith.cmpi slt, %jit3A_79, %sign3A_91 : i32
      %sign3A_93 = arith.extui %sign3A_92 : i1 to i32
      %sign3A_94 = arith.subi %sign3A_90, %sign3A_93 : i32
      %ne3A_95 = arith.cmpi ne, %sign3A_87, %sign3A_94 : i32
      %rem3A_96 = arith.remsi %add3A_40, %jit3A_79 : i32
      %ne3A_97 = arith.constant 0 : i32
      %ne3A_98 = arith.cmpi ne, %rem3A_96, %ne3A_97 : i32
      %and3A_99 = arith.andi %ne3A_95, %ne3A_98 : i1
      %sub3A_100 = arith.constant 1 : i32
      %sub3A_101 = arith.subi %div3A_80, %sub3A_100 : i32
      %select_n3A_102 = arith.select %and3A_99, %sub3A_101, %div3A_80 : i32
      %jit3A_103 = arith.constant 8 : i32
      %eq3A_104 = arith.constant 0 : i32
      %eq3A_105 = arith.cmpi eq, %jit3A_103, %eq3A_104 : i32
      %jit3A_106 = arith.constant 1 : i32
      %select_n3A_107 = arith.select %eq3A_105, %jit3A_106, %jit3A_103 : i32
      %rem3A_108 = arith.remsi %add3A_40, %select_n3A_107 : i32
      %ne3A_109 = arith.constant 0 : i32
      %ne3A_110 = arith.cmpi ne, %rem3A_108, %ne3A_109 : i32
      %lt3A_111 = arith.constant 0 : i32
      %lt3A_112 = arith.cmpi slt, %rem3A_108, %lt3A_111 : i32
      %lt3A_113 = arith.constant 0 : i32
      %lt3A_114 = arith.cmpi slt, %select_n3A_107, %lt3A_113 : i32
      %ne3A_115 = arith.xori %lt3A_112, %lt3A_114 : i1
      %and3A_116 = arith.andi %ne3A_115, %ne3A_110 : i1
      %add3A_117 = arith.addi %rem3A_108, %select_n3A_107 : i32
      %select_n3A_118 = arith.select %and3A_116, %add3A_117, %rem3A_108 : i32
      %mul3A_119 = arith.constant 4224 : i32
      %mul3A_120 = arith.muli %select_n3A_118, %mul3A_119 : i32
      %add3A_121 = vector.broadcast %mul3A_120 : i32 to vector<16xi32>
      %add3A_122 = arith.addi %add3A_121, %iota3A : vector<16xi32>
      %scan3A_123 = arith.constant 0 : i32
      %scan3A_124 = arith.constant 0 : i32
      %scan3A_125 = arith.constant 8 : i32
      %scan3A_126 = arith.addi %scan3A_124, %scan3A_125 : i32
      %scan3A_127 = arith.constant 1 : i32
      %scan3A_128 = scf.for %scan3A_247 = %scan3A_124 to %scan3A_126 step %scan3A_127 iter_args(%scan3A_248 = %scan3A_123) -> (i32)  : i32 {
        %mul3A_249 = arith.constant 8 : i32
        %mul3A_250 = arith.muli %select_n3A_102, %mul3A_249 : i32
        %add3A_251 = arith.addi %mul3A_250, %scan3A_247 : i32
        %mul3A_252 = arith.constant 16 : i32
        %mul3A_253 = arith.muli %add3A_251, %mul3A_252 : i32
        %get3A = arith.index_cast %mul3A_253 : i32 to index
        %get3A_254 = tpu.vector_load %arg8[%get3A] {strides = array<i32>} : memref<512xi32, #tpu.memory_space<vmem>>, vector<16xi32>,
        %get3A_255 = vector.shape_cast %get3A_254 : vector<16xi32> to vector<16xi32>
        %mul3A_256 = arith.constant 16 : i32
        %mul3A_257 = arith.muli %add3A_251, %mul3A_256 : i32
        %get3A_258 = arith.index_cast %mul3A_257 : i32 to index
        %get3A_259 = tpu.vector_load %arg9[%get3A_258] {strides = array<i32>} : memref<512xf32, #tpu.memory_space<vmem>>, vector<16xf32>,
        %get3A_260 = vector.shape_cast %get3A_259 : vector<16xf32> to vector<16xf32>
        %mul3A_261 = arith.constant 16 : i32
        %mul3A_262 = arith.muli %add3A_251, %mul3A_261 : i32
        %get3A_263 = arith.index_cast %mul3A_262 : i32 to index
        %get3A_264 = tpu.vector_load %arg10[%get3A_263] {strides = array<i32>} : memref<512xf32, #tpu.memory_space<vmem>>, vector<16xf32>,
        %get3A_265 = vector.shape_cast %get3A_264 : vector<16xf32> to vector<16xf32>
        %scan3A_266 = arith.constant 0 : i32
        %scan3A_267 = arith.constant 33 : i32
        %scan3A_268 = arith.addi %scan3A_266, %scan3A_267 : i32
        %scan3A_269 = arith.constant 1 : i32
        %scan3A_270:3 = scf.for %scan3A_284 = %scan3A_266 to %scan3A_268 step %scan3A_269 iter_args(%scan3A_285 = %get3A_260, %scan3A_286 = %get3A_265, %scan3A_287 = %add3A_122) -> (vector<16xf32>, vector<16xf32>, vector<16xi32>)  : i32 {
          %mul3A_288 = arith.constant 128 : i32
          %mul3A_289 = arith.muli %scan3A_284, %mul3A_288 : i32
          %add3A_290 = arith.constant 0 : i32
          %add3A_291 = arith.addi %mul3A_289, %add3A_290 : i32
          %get3A_292 = arith.index_cast %scan3A_247 : i32 to index
          %get3A_293 = arith.index_cast %add3A_291 : i32 to index
          %get3A_294 = tpu.vector_load %arg6[%get3A_292, %get3A_293] {strides = array<i32>} : memref<8x4224xf32, #tpu.memory_space<vmem>>, vector<1x16xf32>,
          %get3A_295 = vector.shape_cast %get3A_294 : vector<1x16xf32> to vector<16xf32>
          %exp3A = math.exp %get3A_295 : vector<16xf32>
          %add3A_296 = arith.addf %scan3A_285, %exp3A : vector<16xf32>
          %add3A_297 = arith.constant 0 : i32
          %add3A_298 = vector.broadcast %add3A_297 : i32 to vector<16xi32>
          %add3A_299 = arith.addi %scan3A_287, %add3A_298 : vector<16xi32>
          %eq3A_300 = arith.cmpi eq, %add3A_299, %get3A_255 : vector<16xi32>
          %jit3A_301 = arith.constant 0.900000989 : f32
          %jit3A_302 = arith.constant 9.99999997E-7 : f32
          %broadcast_in_dim3A_303 = vector.broadcast %jit3A_301 : f32 to vector<16xf32>
          %broadcast_in_dim3A_304 = vector.broadcast %jit3A_302 : f32 to vector<16xf32>
          %select_n3A_305 = arith.select %eq3A_300, %broadcast_in_dim3A_303, %broadcast_in_dim3A_304 : vector<16xi1>, vector<16xf32>
          %mul3A_306 = arith.mulf %get3A_295, %select_n3A_305 : vector<16xf32>
          %add3A_307 = arith.addf %scan3A_286, %mul3A_306 : vector<16xf32>
          %add3A_308 = arith.constant 16 : i32
          %add3A_309 = arith.addi %mul3A_289, %add3A_308 : i32
          %get3A_310 = arith.index_cast %scan3A_247 : i32 to index
          %get3A_311 = arith.index_cast %add3A_309 : i32 to index
          %get3A_312 = tpu.vector_load %arg6[%get3A_310, %get3A_311] {strides = array<i32>} : memref<8x4224xf32, #tpu.memory_space<vmem>>, vector<1x16xf32>,
          %get3A_313 = vector.shape_cast %get3A_312 : vector<1x16xf32> to vector<16xf32>
          %exp3A_314 = math.exp %get3A_313 : vector<16xf32>
          %add3A_315 = arith.addf %add3A_296, %exp3A_314 : vector<16xf32>
          %add3A_316 = arith.constant 16 : i32
          %add3A_317 = vector.broadcast %add3A_316 : i32 to vector<16xi32>
          %add3A_318 = arith.addi %scan3A_287, %add3A_317 : vector<16xi32>
          %eq3A_319 = arith.cmpi eq, %add3A_318, %get3A_255 : vector<16xi32>
          %jit3A_320 = arith.constant 0.900000989 : f32
          %jit3A_321 = arith.constant 9.99999997E-7 : f32
          %broadcast_in_dim3A_322 = vector.broadcast %jit3A_320 : f32 to vector<16xf32>
          %broadcast_in_dim3A_323 = vector.broadcast %jit3A_321 : f32 to vector<16xf32>
          %select_n3A_324 = arith.select %eq3A_319, %broadcast_in_dim3A_322, %broadcast_in_dim3A_323 : vector<16xi1>, vector<16xf32>
          %mul3A_325 = arith.mulf %get3A_313, %select_n3A_324 : vector<16xf32>
          %add3A_326 = arith.addf %add3A_307, %mul3A_325 : vector<16xf32>
          %add3A_327 = arith.constant 32 : i32
          %add3A_328 = arith.addi %mul3A_289, %add3A_327 : i32
          %get3A_329 = arith.index_cast %scan3A_247 : i32 to index
          %get3A_330 = arith.index_cast %add3A_328 : i32 to index
          %get3A_331 = tpu.vector_load %arg6[%get3A_329, %get3A_330] {strides = array<i32>} : memref<8x4224xf32, #tpu.memory_space<vmem>>, vector<1x16xf32>,
          %get3A_332 = vector.shape_cast %get3A_331 : vector<1x16xf32> to vector<16xf32>
          %exp3A_333 = math.exp %get3A_332 : vector<16xf32>
          %add3A_334 = arith.addf %add3A_315, %exp3A_333 : vector<16xf32>
          %add3A_335 = arith.constant 32 : i32
          %add3A_336 = vector.broadcast %add3A_335 : i32 to vector<16xi32>
          %add3A_337 = arith.addi %scan3A_287, %add3A_336 : vector<16xi32>
          %eq3A_338 = arith.cmpi eq, %add3A_337, %get3A_255 : vector<16xi32>
          %jit3A_339 = arith.constant 0.900000989 : f32
          %jit3A_340 = arith.constant 9.99999997E-7 : f32
          %broadcast_in_dim3A_341 = vector.broadcast %jit3A_339 : f32 to vector<16xf32>
          %broadcast_in_dim3A_342 = vector.broadcast %jit3A_340 : f32 to vector<16xf32>
          %select_n3A_343 = arith.select %eq3A_338, %broadcast_in_dim3A_341, %broadcast_in_dim3A_342 : vector<16xi1>, vector<16xf32>
          %mul3A_344 = arith.mulf %get3A_332, %select_n3A_343 : vector<16xf32>
          %add3A_345 = arith.addf %add3A_326, %mul3A_344 : vector<16xf32>
          %add3A_346 = arith.constant 48 : i32
          %add3A_347 = arith.addi %mul3A_289, %add3A_346 : i32
          %get3A_348 = arith.index_cast %scan3A_247 : i32 to index
          %get3A_349 = arith.index_cast %add3A_347 : i32 to index
          %get3A_350 = tpu.vector_load %arg6[%get3A_348, %get3A_349] {strides = array<i32>} : memref<8x4224xf32, #tpu.memory_space<vmem>>, vector<1x16xf32>,
          %get3A_351 = vector.shape_cast %get3A_350 : vector<1x16xf32> to vector<16xf32>
          %exp3A_352 = math.exp %get3A_351 : vector<16xf32>
          %add3A_353 = arith.addf %add3A_334, %exp3A_352 : vector<16xf32>
          %add3A_354 = arith.constant 48 : i32
          %add3A_355 = vector.broadcast %add3A_354 : i32 to vector<16xi32>
          %add3A_356 = arith.addi %scan3A_287, %add3A_355 : vector<16xi32>
          %eq3A_357 = arith.cmpi eq, %add3A_356, %get3A_255 : vector<16xi32>
          %jit3A_358 = arith.constant 0.900000989 : f32
          %jit3A_359 = arith.constant 9.99999997E-7 : f32
          %broadcast_in_dim3A_360 = vector.broadcast %jit3A_358 : f32 to vector<16xf32>
          %broadcast_in_dim3A_361 = vector.broadcast %jit3A_359 : f32 to vector<16xf32>
          %select_n3A_362 = arith.select %eq3A_357, %broadcast_in_dim3A_360, %broadcast_in_dim3A_361 : vector<16xi1>, vector<16xf32>
          %mul3A_363 = arith.mulf %get3A_351, %select_n3A_362 : vector<16xf32>
          %add3A_364 = arith.addf %add3A_345, %mul3A_363 : vector<16xf32>
          %add3A_365 = arith.constant 64 : i32
          %add3A_366 = arith.addi %mul3A_289, %add3A_365 : i32
          %get3A_367 = arith.index_cast %scan3A_247 : i32 to index
          %get3A_368 = arith.index_cast %add3A_366 : i32 to index
          %get3A_369 = tpu.vector_load %arg6[%get3A_367, %get3A_368] {strides = array<i32>} : memref<8x4224xf32, #tpu.memory_space<vmem>>, vector<1x16xf32>,
          %get3A_370 = vector.shape_cast %get3A_369 : vector<1x16xf32> to vector<16xf32>
          %exp3A_371 = math.exp %get3A_370 : vector<16xf32>
          %add3A_372 = arith.addf %add3A_353, %exp3A_371 : vector<16xf32>
          %add3A_373 = arith.constant 64 : i32
          %add3A_374 = vector.broadcast %add3A_373 : i32 to vector<16xi32>
          %add3A_375 = arith.addi %scan3A_287, %add3A_374 : vector<16xi32>
          %eq3A_376 = arith.cmpi eq, %add3A_375, %get3A_255 : vector<16xi32>
          %jit3A_377 = arith.constant 0.900000989 : f32
          %jit3A_378 = arith.constant 9.99999997E-7 : f32
          %broadcast_in_dim3A_379 = vector.broadcast %jit3A_377 : f32 to vector<16xf32>
          %broadcast_in_dim3A_380 = vector.broadcast %jit3A_378 : f32 to vector<16xf32>
          %select_n3A_381 = arith.select %eq3A_376, %broadcast_in_dim3A_379, %broadcast_in_dim3A_380 : vector<16xi1>, vector<16xf32>
          %mul3A_382 = arith.mulf %get3A_370, %select_n3A_381 : vector<16xf32>
          %add3A_383 = arith.addf %add3A_364, %mul3A_382 : vector<16xf32>
          %add3A_384 = arith.constant 80 : i32
          %add3A_385 = arith.addi %mul3A_289, %add3A_384 : i32
          %get3A_386 = arith.index_cast %scan3A_247 : i32 to index
          %get3A_387 = arith.index_cast %add3A_385 : i32 to index
          %get3A_388 = tpu.vector_load %arg6[%get3A_386, %get3A_387] {strides = array<i32>} : memref<8x4224xf32, #tpu.memory_space<vmem>>, vector<1x16xf32>,
          %get3A_389 = vector.shape_cast %get3A_388 : vector<1x16xf32> to vector<16xf32>
          %exp3A_390 = math.exp %get3A_389 : vector<16xf32>
          %add3A_391 = arith.addf %add3A_372, %exp3A_390 : vector<16xf32>
          %add3A_392 = arith.constant 80 : i32
          %add3A_393 = vector.broadcast %add3A_392 : i32 to vector<16xi32>
          %add3A_394 = arith.addi %scan3A_287, %add3A_393 : vector<16xi32>
          %eq3A_395 = arith.cmpi eq, %add3A_394, %get3A_255 : vector<16xi32>
          %jit3A_396 = arith.constant 0.900000989 : f32
          %jit3A_397 = arith.constant 9.99999997E-7 : f32
          %broadcast_in_dim3A_398 = vector.broadcast %jit3A_396 : f32 to vector<16xf32>
          %broadcast_in_dim3A_399 = vector.broadcast %jit3A_397 : f32 to vector<16xf32>
          %select_n3A_400 = arith.select %eq3A_395, %broadcast_in_dim3A_398, %broadcast_in_dim3A_399 : vector<16xi1>, vector<16xf32>
          %mul3A_401 = arith.mulf %get3A_389, %select_n3A_400 : vector<16xf32>
          %add3A_402 = arith.addf %add3A_383, %mul3A_401 : vector<16xf32>
          %add3A_403 = arith.constant 96 : i32
          %add3A_404 = arith.addi %mul3A_289, %add3A_403 : i32
          %get3A_405 = arith.index_cast %scan3A_247 : i32 to index
          %get3A_406 = arith.index_cast %add3A_404 : i32 to index
          %get3A_407 = tpu.vector_load %arg6[%get3A_405, %get3A_406] {strides = array<i32>} : memref<8x4224xf32, #tpu.memory_space<vmem>>, vector<1x16xf32>,
          %get3A_408 = vector.shape_cast %get3A_407 : vector<1x16xf32> to vector<16xf32>
          %exp3A_409 = math.exp %get3A_408 : vector<16xf32>
          %add3A_410 = arith.addf %add3A_391, %exp3A_409 : vector<16xf32>
          %add3A_411 = arith.constant 96 : i32
          %add3A_412 = vector.broadcast %add3A_411 : i32 to vector<16xi32>
          %add3A_413 = arith.addi %scan3A_287, %add3A_412 : vector<16xi32>
          %eq3A_414 = arith.cmpi eq, %add3A_413, %get3A_255 : vector<16xi32>
          %jit3A_415 = arith.constant 0.900000989 : f32
          %jit3A_416 = arith.constant 9.99999997E-7 : f32
          %broadcast_in_dim3A_417 = vector.broadcast %jit3A_415 : f32 to vector<16xf32>
          %broadcast_in_dim3A_418 = vector.broadcast %jit3A_416 : f32 to vector<16xf32>
          %select_n3A_419 = arith.select %eq3A_414, %broadcast_in_dim3A_417, %broadcast_in_dim3A_418 : vector<16xi1>, vector<16xf32>
          %mul3A_420 = arith.mulf %get3A_408, %select_n3A_419 : vector<16xf32>
          %add3A_421 = arith.addf %add3A_402, %mul3A_420 : vector<16xf32>
          %add3A_422 = arith.constant 112 : i32
          %add3A_423 = arith.addi %mul3A_289, %add3A_422 : i32
          %get3A_424 = arith.index_cast %scan3A_247 : i32 to index
          %get3A_425 = arith.index_cast %add3A_423 : i32 to index
          %get3A_426 = tpu.vector_load %arg6[%get3A_424, %get3A_425] {strides = array<i32>} : memref<8x4224xf32, #tpu.memory_space<vmem>>, vector<1x16xf32>,
          %get3A_427 = vector.shape_cast %get3A_426 : vector<1x16xf32> to vector<16xf32>
          %exp3A_428 = math.exp %get3A_427 : vector<16xf32>
          %add3A_429 = arith.addf %add3A_410, %exp3A_428 : vector<16xf32>
          %add3A_430 = arith.constant 112 : i32
          %add3A_431 = vector.broadcast %add3A_430 : i32 to vector<16xi32>
          %add3A_432 = arith.addi %scan3A_287, %add3A_431 : vector<16xi32>
          %eq3A_433 = arith.cmpi eq, %add3A_432, %get3A_255 : vector<16xi32>
          %jit3A_434 = arith.constant 0.900000989 : f32
          %jit3A_435 = arith.constant 9.99999997E-7 : f32
          %broadcast_in_dim3A_436 = vector.broadcast %jit3A_434 : f32 to vector<16xf32>
          %broadcast_in_dim3A_437 = vector.broadcast %jit3A_435 : f32 to vector<16xf32>
          %select_n3A_438 = arith.select %eq3A_433, %broadcast_in_dim3A_436, %broadcast_in_dim3A_437 : vector<16xi1>, vector<16xf32>
          %mul3A_439 = arith.mulf %get3A_427, %select_n3A_438 : vector<16xf32>
          %add3A_440 = arith.addf %add3A_421, %mul3A_439 : vector<16xf32>
          %add3A_441 = arith.constant 128 : i32
          %add3A_442 = vector.broadcast %add3A_441 : i32 to vector<16xi32>
          %add3A_443 = arith.addi %scan3A_287, %add3A_442 : vector<16xi32>
          scf.yield %add3A_429, %add3A_440, %add3A_443 : vector<16xf32>, vector<16xf32>, vector<16xi32>
        }
        %scan3A_271 = arith.constant 33 : i32
        %mul3A_272 = arith.constant 16 : i32
        %mul3A_273 = arith.muli %add3A_251, %mul3A_272 : i32
        %swap3A = arith.index_cast %mul3A_273 : i32 to index
        %swap3A_274 = tpu.vector_load %arg9[%swap3A] {strides = array<i32>} : memref<512xf32, #tpu.memory_space<vmem>>, vector<16xf32>,
        %swap3A_275 = vector.shape_cast %swap3A_274 : vector<16xf32> to vector<16xf32>
        %swap3A_276 = vector.shape_cast %scan3A_270#0 : vector<16xf32> to vector<16xf32>
        tpu.vector_store %arg9[%swap3A], %swap3A_276 {strides = array<i32>} : memref<512xf32, #tpu.memory_space<vmem>>, vector<16xf32>,
        %mul3A_277 = arith.constant 16 : i32
        %mul3A_278 = arith.muli %add3A_251, %mul3A_277 : i32
        %swap3A_279 = arith.index_cast %mul3A_278 : i32 to index
        %swap3A_280 = tpu.vector_load %arg10[%swap3A_279] {strides = array<i32>} : memref<512xf32, #tpu.memory_space<vmem>>, vector<16xf32>,
        %swap3A_281 = vector.shape_cast %swap3A_280 : vector<16xf32> to vector<16xf32>
        %swap3A_282 = vector.shape_cast %scan3A_270#1 : vector<16xf32> to vector<16xf32>
        tpu.vector_store %arg10[%swap3A_279], %swap3A_282 {strides = array<i32>} : memref<512xf32, #tpu.memory_space<vmem>>, vector<16xf32>,
        %scan3A_283 = arith.constant 0 : i32
        scf.yield %scan3A_283 : i32
      }
      %scan3A_129 = arith.constant 8 : i32
      %add3A_130 = arith.constant 2 : i32
      %add3A_131 = arith.addi %add3A_40, %add3A_130 : i32
      %lt3A_132 = arith.constant 32 : i32
      %lt3A_133 = arith.cmpi slt, %add3A_131, %lt3A_132 : i32
      %convert_element_type3A = arith.extui %lt3A_133 : i1 to i32
      %cond3A = arith.constant 0 : i32
      %cond3A_134 = arith.cmpi ne, %convert_element_type3A, %cond3A : i32
      scf.if %cond3A_134 {
        %add3A_247 = arith.constant 2 : i32
        %add3A_248 = arith.addi %add3A_40, %add3A_247 : i32
        %jit3A_249 = arith.constant 8 : i32
        %div3A_250 = arith.divsi %add3A_248, %jit3A_249 : i32
        %sign3A_251 = arith.constant 0 : i32
        %sign3A_252 = arith.cmpi sgt, %add3A_248, %sign3A_251 : i32
        %sign3A_253 = arith.extui %sign3A_252 : i1 to i32
        %sign3A_254 = arith.constant 0 : i32
        %sign3A_255 = arith.cmpi slt, %add3A_248, %sign3A_254 : i32
        %sign3A_256 = arith.extui %sign3A_255 : i1 to i32
        %sign3A_257 = arith.subi %sign3A_253, %sign3A_256 : i32
        %sign3A_258 = arith.constant 0 : i32
        %sign3A_259 = arith.cmpi sgt, %jit3A_249, %sign3A_258 : i32
        %sign3A_260 = arith.extui %sign3A_259 : i1 to i32
        %sign3A_261 = arith.constant 0 : i32
        %sign3A_262 = arith.cmpi slt, %jit3A_249, %sign3A_261 : i32
        %sign3A_263 = arith.extui %sign3A_262 : i1 to i32
        %sign3A_264 = arith.subi %sign3A_260, %sign3A_263 : i32
        %ne3A_265 = arith.cmpi ne, %sign3A_257, %sign3A_264 : i32
        %rem3A_266 = arith.remsi %add3A_248, %jit3A_249 : i32
        %ne3A_267 = arith.constant 0 : i32
        %ne3A_268 = arith.cmpi ne, %rem3A_266, %ne3A_267 : i32
        %and3A_269 = arith.andi %ne3A_265, %ne3A_268 : i1
        %sub3A_270 = arith.constant 1 : i32
        %sub3A_271 = arith.subi %div3A_250, %sub3A_270 : i32
        %select_n3A_272 = arith.select %and3A_269, %sub3A_271, %div3A_250 : i32
        %jit3A_273 = arith.constant 8 : i32
        %eq3A_274 = arith.constant 0 : i32
        %eq3A_275 = arith.cmpi eq, %jit3A_273, %eq3A_274 : i32
        %jit3A_276 = arith.constant 1 : i32
        %select_n3A_277 = arith.select %eq3A_275, %jit3A_276, %jit3A_273 : i32
        %rem3A_278 = arith.remsi %add3A_248, %select_n3A_277 : i32
        %ne3A_279 = arith.constant 0 : i32
        %ne3A_280 = arith.cmpi ne, %rem3A_278, %ne3A_279 : i32
        %lt3A_281 = arith.constant 0 : i32
        %lt3A_282 = arith.cmpi slt, %rem3A_278, %lt3A_281 : i32
        %lt3A_283 = arith.constant 0 : i32
        %lt3A_284 = arith.cmpi slt, %select_n3A_277, %lt3A_283 : i32
        %ne3A_285 = arith.xori %lt3A_282, %lt3A_284 : i1
        %and3A_286 = arith.andi %ne3A_285, %ne3A_280 : i1
        %add3A_287 = arith.addi %rem3A_278, %select_n3A_277 : i32
        %select_n3A_288 = arith.select %and3A_286, %add3A_287, %rem3A_278 : i32
        %mul3A_289 = arith.constant 8 : i32
        %mul3A_290 = arith.muli %mul3A_289, %select_n3A_272 : i32
        %add3A_291 = arith.addi %mul3A_2, %mul3A_290 : i32
        %multiple_of3A_292 = tpu.assume_multiple %add3A_291, 8 : i32
        %mul3A_293 = arith.constant 4224 : i32
        %mul3A_294 = arith.muli %select_n3A_288, %mul3A_293 : i32
        %multiple_of3A_295 = tpu.assume_multiple %mul3A_294, 128 : i32
        %dma_start3A_296 = tpu.memref_slice %arg2[%multiple_of3A_292, %multiple_of3A_295] : memref<1024x33792xf32, #tpu.memory_space<hbm>> -> memref<8x4224xf32, #tpu.memory_space<hbm>>
        %dma_start3A_297 = tpu.memref_slice %arg2[%multiple_of3A_292, %multiple_of3A_295] : memref<1024x33792xf32, #tpu.memory_space<hbm>> -> memref<8x4224xf32, #tpu.memory_space<hbm>>
        tpu.enqueue_dma source(%dma_start3A_297 : memref<8x4224xf32, #tpu.memory_space<hbm>>) target(%arg6 : memref<8x4224xf32, #tpu.memory_space<vmem>>) target_semaphore(%arg11 : memref<!tpu.dma_semaphore, #tpu.memory_space<semaphore_mem>>)
      } else {
      }
      %mul3A_135 = arith.constant 2 : i32
      %mul3A_136 = arith.muli %scan3A_35, %mul3A_135 : i32
      %add3A_137 = arith.constant 1 : i32
      %add3A_138 = arith.addi %mul3A_136, %add3A_137 : i32
      %jit3A_139 = arith.constant 8 : i32
      %div3A_140 = arith.divsi %add3A_138, %jit3A_139 : i32
      %sign3A_141 = arith.constant 0 : i32
      %sign3A_142 = arith.cmpi sgt, %add3A_138, %sign3A_141 : i32
      %sign3A_143 = arith.extui %sign3A_142 : i1 to i32
      %sign3A_144 = arith.constant 0 : i32
      %sign3A_145 = arith.cmpi slt, %add3A_138, %sign3A_144 : i32
      %sign3A_146 = arith.extui %sign3A_145 : i1 to i32
      %sign3A_147 = arith.subi %sign3A_143, %sign3A_146 : i32
      %sign3A_148 = arith.constant 0 : i32
      %sign3A_149 = arith.cmpi sgt, %jit3A_139, %sign3A_148 : i32
      %sign3A_150 = arith.extui %sign3A_149 : i1 to i32
      %sign3A_151 = arith.constant 0 : i32
      %sign3A_152 = arith.cmpi slt, %jit3A_139, %sign3A_151 : i32
      %sign3A_153 = arith.extui %sign3A_152 : i1 to i32
      %sign3A_154 = arith.subi %sign3A_150, %sign3A_153 : i32
      %ne3A_155 = arith.cmpi ne, %sign3A_147, %sign3A_154 : i32
      %rem3A_156 = arith.remsi %add3A_138, %jit3A_139 : i32
      %ne3A_157 = arith.constant 0 : i32
      %ne3A_158 = arith.cmpi ne, %rem3A_156, %ne3A_157 : i32
      %and3A_159 = arith.andi %ne3A_155, %ne3A_158 : i1
      %sub3A_160 = arith.constant 1 : i32
      %sub3A_161 = arith.subi %div3A_140, %sub3A_160 : i32
      %select_n3A_162 = arith.select %and3A_159, %sub3A_161, %div3A_140 : i32
      %jit3A_163 = arith.constant 8 : i32
      %eq3A_164 = arith.constant 0 : i32
      %eq3A_165 = arith.cmpi eq, %jit3A_163, %eq3A_164 : i32
      %jit3A_166 = arith.constant 1 : i32
      %select_n3A_167 = arith.select %eq3A_165, %jit3A_166, %jit3A_163 : i32
      %rem3A_168 = arith.remsi %add3A_138, %select_n3A_167 : i32
      %ne3A_169 = arith.constant 0 : i32
      %ne3A_170 = arith.cmpi ne, %rem3A_168, %ne3A_169 : i32
      %lt3A_171 = arith.constant 0 : i32
      %lt3A_172 = arith.cmpi slt, %rem3A_168, %lt3A_171 : i32
      %lt3A_173 = arith.constant 0 : i32
      %lt3A_174 = arith.cmpi slt, %select_n3A_167, %lt3A_173 : i32
      %ne3A_175 = arith.xori %lt3A_172, %lt3A_174 : i1
      %and3A_176 = arith.andi %ne3A_175, %ne3A_170 : i1
      %add3A_177 = arith.addi %rem3A_168, %select_n3A_167 : i32
      %select_n3A_178 = arith.select %and3A_176, %add3A_177, %rem3A_168 : i32
      %mul3A_179 = arith.constant 8 : i32
      %mul3A_180 = arith.muli %mul3A_179, %select_n3A_162 : i32
      %add3A_181 = arith.addi %mul3A_2, %mul3A_180 : i32
      %multiple_of3A_182 = tpu.assume_multiple %add3A_181, 8 : i32
      %mul3A_183 = arith.constant 4224 : i32
      %mul3A_184 = arith.muli %select_n3A_178, %mul3A_183 : i32
      %multiple_of3A_185 = tpu.assume_multiple %mul3A_184, 128 : i32
      %dma_wait3A_186 = tpu.memref_slice %arg2[%multiple_of3A_182, %multiple_of3A_185] : memref<1024x33792xf32, #tpu.memory_space<hbm>> -> memref<8x4224xf32, #tpu.memory_space<hbm>>
      %dma_wait3A_187 = tpu.memref_slice %arg2[%multiple_of3A_182, %multiple_of3A_185] : memref<1024x33792xf32, #tpu.memory_space<hbm>> -> memref<8x4224xf32, #tpu.memory_space<hbm>>
      tpu.wait_dma2 semaphore(%arg12 : memref<!tpu.dma_semaphore, #tpu.memory_space<semaphore_mem>>) src(%dma_wait3A_187 : memref<8x4224xf32, #tpu.memory_space<hbm>>) dst(%arg7 : memref<8x4224xf32, #tpu.memory_space<vmem>>)
      %jit3A_188 = arith.constant 8 : i32
      %div3A_189 = arith.divsi %add3A_138, %jit3A_188 : i32
      %sign3A_190 = arith.constant 0 : i32
      %sign3A_191 = arith.cmpi sgt, %add3A_138, %sign3A_190 : i32
      %sign3A_192 = arith.extui %sign3A_191 : i1 to i32
      %sign3A_193 = arith.constant 0 : i32
      %sign3A_194 = arith.cmpi slt, %add3A_138, %sign3A_193 : i32
      %sign3A_195 = arith.extui %sign3A_194 : i1 to i32
      %sign3A_196 = arith.subi %sign3A_192, %sign3A_195 : i32
      %sign3A_197 = arith.constant 0 : i32
      %sign3A_198 = arith.cmpi sgt, %jit3A_188, %sign3A_197 : i32
      %sign3A_199 = arith.extui %sign3A_198 : i1 to i32
      %sign3A_200 = arith.constant 0 : i32
      %sign3A_201 = arith.cmpi slt, %jit3A_188, %sign3A_200 : i32
      %sign3A_202 = arith.extui %sign3A_201 : i1 to i32
      %sign3A_203 = arith.subi %sign3A_199, %sign3A_202 : i32
      %ne3A_204 = arith.cmpi ne, %sign3A_196, %sign3A_203 : i32
      %rem3A_205 = arith.remsi %add3A_138, %jit3A_188 : i32
      %ne3A_206 = arith.constant 0 : i32
      %ne3A_207 = arith.cmpi ne, %rem3A_205, %ne3A_206 : i32
      %and3A_208 = arith.andi %ne3A_204, %ne3A_207 : i1
      %sub3A_209 = arith.constant 1 : i32
      %sub3A_210 = arith.subi %div3A_189, %sub3A_209 : i32
      %select_n3A_211 = arith.select %and3A_208, %sub3A_210, %div3A_189 : i32
      %jit3A_212 = arith.constant 8 : i32
      %eq3A_213 = arith.constant 0 : i32
      %eq3A_214 = arith.cmpi eq, %jit3A_212, %eq3A_213 : i32
      %jit3A_215 = arith.constant 1 : i32
      %select_n3A_216 = arith.select %eq3A_214, %jit3A_215, %jit3A_212 : i32
      %rem3A_217 = arith.remsi %add3A_138, %select_n3A_216 : i32
      %ne3A_218 = arith.constant 0 : i32
      %ne3A_219 = arith.cmpi ne, %rem3A_217, %ne3A_218 : i32
      %lt3A_220 = arith.constant 0 : i32
      %lt3A_221 = arith.cmpi slt, %rem3A_217, %lt3A_220 : i32
      %lt3A_222 = arith.constant 0 : i32
      %lt3A_223 = arith.cmpi slt, %select_n3A_216, %lt3A_222 : i32
      %ne3A_224 = arith.xori %lt3A_221, %lt3A_223 : i1
      %and3A_225 = arith.andi %ne3A_224, %ne3A_219 : i1
      %add3A_226 = arith.addi %rem3A_217, %select_n3A_216 : i32
      %select_n3A_227 = arith.select %and3A_225, %add3A_226, %rem3A_217 : i32
      %mul3A_228 = arith.constant 4224 : i32
      %mul3A_229 = arith.muli %select_n3A_227, %mul3A_228 : i32
      %add3A_230 = vector.broadcast %mul3A_229 : i32 to vector<16xi32>
      %add3A_231 = arith.addi %add3A_230, %iota3A : vector<16xi32>
      %scan3A_232 = arith.constant 0 : i32
      %scan3A_233 = arith.constant 0 : i32
      %scan3A_234 = arith.constant 8 : i32
      %scan3A_235 = arith.addi %scan3A_233, %scan3A_234 : i32
      %scan3A_236 = arith.constant 1 : i32
      %scan3A_237 = scf.for %scan3A_247 = %scan3A_233 to %scan3A_235 step %scan3A_236 iter_args(%scan3A_248 = %scan3A_232) -> (i32)  : i32 {
        %mul3A_249 = arith.constant 8 : i32
        %mul3A_250 = arith.muli %select_n3A_211, %mul3A_249 : i32
        %add3A_251 = arith.addi %mul3A_250, %scan3A_247 : i32
        %mul3A_252 = arith.constant 16 : i32
        %mul3A_253 = arith.muli %add3A_251, %mul3A_252 : i32
        %get3A = arith.index_cast %mul3A_253 : i32 to index
        %get3A_254 = tpu.vector_load %arg8[%get3A] {strides = array<i32>} : memref<512xi32, #tpu.memory_space<vmem>>, vector<16xi32>,
        %get3A_255 = vector.shape_cast %get3A_254 : vector<16xi32> to vector<16xi32>
        %mul3A_256 = arith.constant 16 : i32
        %mul3A_257 = arith.muli %add3A_251, %mul3A_256 : i32
        %get3A_258 = arith.index_cast %mul3A_257 : i32 to index
        %get3A_259 = tpu.vector_load %arg9[%get3A_258] {strides = array<i32>} : memref<512xf32, #tpu.memory_space<vmem>>, vector<16xf32>,
        %get3A_260 = vector.shape_cast %get3A_259 : vector<16xf32> to vector<16xf32>
        %mul3A_261 = arith.constant 16 : i32
        %mul3A_262 = arith.muli %add3A_251, %mul3A_261 : i32
        %get3A_263 = arith.index_cast %mul3A_262 : i32 to index
        %get3A_264 = tpu.vector_load %arg10[%get3A_263] {strides = array<i32>} : memref<512xf32, #tpu.memory_space<vmem>>, vector<16xf32>,
        %get3A_265 = vector.shape_cast %get3A_264 : vector<16xf32> to vector<16xf32>
        %scan3A_266 = arith.constant 0 : i32
        %scan3A_267 = arith.constant 33 : i32
        %scan3A_268 = arith.addi %scan3A_266, %scan3A_267 : i32
        %scan3A_269 = arith.constant 1 : i32
        %scan3A_270:3 = scf.for %scan3A_284 = %scan3A_266 to %scan3A_268 step %scan3A_269 iter_args(%scan3A_285 = %get3A_260, %scan3A_286 = %get3A_265, %scan3A_287 = %add3A_231) -> (vector<16xf32>, vector<16xf32>, vector<16xi32>)  : i32 {
          %mul3A_288 = arith.constant 128 : i32
          %mul3A_289 = arith.muli %scan3A_284, %mul3A_288 : i32
          %add3A_290 = arith.constant 0 : i32
          %add3A_291 = arith.addi %mul3A_289, %add3A_290 : i32
          %get3A_292 = arith.index_cast %scan3A_247 : i32 to index
          %get3A_293 = arith.index_cast %add3A_291 : i32 to index
          %get3A_294 = tpu.vector_load %arg7[%get3A_292, %get3A_293] {strides = array<i32>} : memref<8x4224xf32, #tpu.memory_space<vmem>>, vector<1x16xf32>,
          %get3A_295 = vector.shape_cast %get3A_294 : vector<1x16xf32> to vector<16xf32>
          %exp3A = math.exp %get3A_295 : vector<16xf32>
          %add3A_296 = arith.addf %scan3A_285, %exp3A : vector<16xf32>
          %add3A_297 = arith.constant 0 : i32
          %add3A_298 = vector.broadcast %add3A_297 : i32 to vector<16xi32>
          %add3A_299 = arith.addi %scan3A_287, %add3A_298 : vector<16xi32>
          %eq3A_300 = arith.cmpi eq, %add3A_299, %get3A_255 : vector<16xi32>
          %jit3A_301 = arith.constant 0.900000989 : f32
          %jit3A_302 = arith.constant 9.99999997E-7 : f32
          %broadcast_in_dim3A_303 = vector.broadcast %jit3A_301 : f32 to vector<16xf32>
          %broadcast_in_dim3A_304 = vector.broadcast %jit3A_302 : f32 to vector<16xf32>
          %select_n3A_305 = arith.select %eq3A_300, %broadcast_in_dim3A_303, %broadcast_in_dim3A_304 : vector<16xi1>, vector<16xf32>
          %mul3A_306 = arith.mulf %get3A_295, %select_n3A_305 : vector<16xf32>
          %add3A_307 = arith.addf %scan3A_286, %mul3A_306 : vector<16xf32>
          %add3A_308 = arith.constant 16 : i32
          %add3A_309 = arith.addi %mul3A_289, %add3A_308 : i32
          %get3A_310 = arith.index_cast %scan3A_247 : i32 to index
          %get3A_311 = arith.index_cast %add3A_309 : i32 to index
          %get3A_312 = tpu.vector_load %arg7[%get3A_310, %get3A_311] {strides = array<i32>} : memref<8x4224xf32, #tpu.memory_space<vmem>>, vector<1x16xf32>,
          %get3A_313 = vector.shape_cast %get3A_312 : vector<1x16xf32> to vector<16xf32>
          %exp3A_314 = math.exp %get3A_313 : vector<16xf32>
          %add3A_315 = arith.addf %add3A_296, %exp3A_314 : vector<16xf32>
          %add3A_316 = arith.constant 16 : i32
          %add3A_317 = vector.broadcast %add3A_316 : i32 to vector<16xi32>
          %add3A_318 = arith.addi %scan3A_287, %add3A_317 : vector<16xi32>
          %eq3A_319 = arith.cmpi eq, %add3A_318, %get3A_255 : vector<16xi32>
          %jit3A_320 = arith.constant 0.900000989 : f32
          %jit3A_321 = arith.constant 9.99999997E-7 : f32
          %broadcast_in_dim3A_322 = vector.broadcast %jit3A_320 : f32 to vector<16xf32>
          %broadcast_in_dim3A_323 = vector.broadcast %jit3A_321 : f32 to vector<16xf32>
          %select_n3A_324 = arith.select %eq3A_319, %broadcast_in_dim3A_322, %broadcast_in_dim3A_323 : vector<16xi1>, vector<16xf32>
          %mul3A_325 = arith.mulf %get3A_313, %select_n3A_324 : vector<16xf32>
          %add3A_326 = arith.addf %add3A_307, %mul3A_325 : vector<16xf32>
          %add3A_327 = arith.constant 32 : i32
          %add3A_328 = arith.addi %mul3A_289, %add3A_327 : i32
          %get3A_329 = arith.index_cast %scan3A_247 : i32 to index
          %get3A_330 = arith.index_cast %add3A_328 : i32 to index
          %get3A_331 = tpu.vector_load %arg7[%get3A_329, %get3A_330] {strides = array<i32>} : memref<8x4224xf32, #tpu.memory_space<vmem>>, vector<1x16xf32>,
          %get3A_332 = vector.shape_cast %get3A_331 : vector<1x16xf32> to vector<16xf32>
          %exp3A_333 = math.exp %get3A_332 : vector<16xf32>
          %add3A_334 = arith.addf %add3A_315, %exp3A_333 : vector<16xf32>
          %add3A_335 = arith.constant 32 : i32
          %add3A_336 = vector.broadcast %add3A_335 : i32 to vector<16xi32>
          %add3A_337 = arith.addi %scan3A_287, %add3A_336 : vector<16xi32>
          %eq3A_338 = arith.cmpi eq, %add3A_337, %get3A_255 : vector<16xi32>
          %jit3A_339 = arith.constant 0.900000989 : f32
          %jit3A_340 = arith.constant 9.99999997E-7 : f32
          %broadcast_in_dim3A_341 = vector.broadcast %jit3A_339 : f32 to vector<16xf32>
          %broadcast_in_dim3A_342 = vector.broadcast %jit3A_340 : f32 to vector<16xf32>
          %select_n3A_343 = arith.select %eq3A_338, %broadcast_in_dim3A_341, %broadcast_in_dim3A_342 : vector<16xi1>, vector<16xf32>
          %mul3A_344 = arith.mulf %get3A_332, %select_n3A_343 : vector<16xf32>
          %add3A_345 = arith.addf %add3A_326, %mul3A_344 : vector<16xf32>
          %add3A_346 = arith.constant 48 : i32
          %add3A_347 = arith.addi %mul3A_289, %add3A_346 : i32
          %get3A_348 = arith.index_cast %scan3A_247 : i32 to index
          %get3A_349 = arith.index_cast %add3A_347 : i32 to index
          %get3A_350 = tpu.vector_load %arg7[%get3A_348, %get3A_349] {strides = array<i32>} : memref<8x4224xf32, #tpu.memory_space<vmem>>, vector<1x16xf32>,
          %get3A_351 = vector.shape_cast %get3A_350 : vector<1x16xf32> to vector<16xf32>
          %exp3A_352 = math.exp %get3A_351 : vector<16xf32>
          %add3A_353 = arith.addf %add3A_334, %exp3A_352 : vector<16xf32>
          %add3A_354 = arith.constant 48 : i32
          %add3A_355 = vector.broadcast %add3A_354 : i32 to vector<16xi32>
          %add3A_356 = arith.addi %scan3A_287, %add3A_355 : vector<16xi32>
          %eq3A_357 = arith.cmpi eq, %add3A_356, %get3A_255 : vector<16xi32>
          %jit3A_358 = arith.constant 0.900000989 : f32
          %jit3A_359 = arith.constant 9.99999997E-7 : f32
          %broadcast_in_dim3A_360 = vector.broadcast %jit3A_358 : f32 to vector<16xf32>
          %broadcast_in_dim3A_361 = vector.broadcast %jit3A_359 : f32 to vector<16xf32>
          %select_n3A_362 = arith.select %eq3A_357, %broadcast_in_dim3A_360, %broadcast_in_dim3A_361 : vector<16xi1>, vector<16xf32>
          %mul3A_363 = arith.mulf %get3A_351, %select_n3A_362 : vector<16xf32>
          %add3A_364 = arith.addf %add3A_345, %mul3A_363 : vector<16xf32>
          %add3A_365 = arith.constant 64 : i32
          %add3A_366 = arith.addi %mul3A_289, %add3A_365 : i32
          %get3A_367 = arith.index_cast %scan3A_247 : i32 to index
          %get3A_368 = arith.index_cast %add3A_366 : i32 to index
          %get3A_369 = tpu.vector_load %arg7[%get3A_367, %get3A_368] {strides = array<i32>} : memref<8x4224xf32, #tpu.memory_space<vmem>>, vector<1x16xf32>,
          %get3A_370 = vector.shape_cast %get3A_369 : vector<1x16xf32> to vector<16xf32>
          %exp3A_371 = math.exp %get3A_370 : vector<16xf32>
          %add3A_372 = arith.addf %add3A_353, %exp3A_371 : vector<16xf32>
          %add3A_373 = arith.constant 64 : i32
          %add3A_374 = vector.broadcast %add3A_373 : i32 to vector<16xi32>
          %add3A_375 = arith.addi %scan3A_287, %add3A_374 : vector<16xi32>
          %eq3A_376 = arith.cmpi eq, %add3A_375, %get3A_255 : vector<16xi32>
          %jit3A_377 = arith.constant 0.900000989 : f32
          %jit3A_378 = arith.constant 9.99999997E-7 : f32
          %broadcast_in_dim3A_379 = vector.broadcast %jit3A_377 : f32 to vector<16xf32>
          %broadcast_in_dim3A_380 = vector.broadcast %jit3A_378 : f32 to vector<16xf32>
          %select_n3A_381 = arith.select %eq3A_376, %broadcast_in_dim3A_379, %broadcast_in_dim3A_380 : vector<16xi1>, vector<16xf32>
          %mul3A_382 = arith.mulf %get3A_370, %select_n3A_381 : vector<16xf32>
          %add3A_383 = arith.addf %add3A_364, %mul3A_382 : vector<16xf32>
          %add3A_384 = arith.constant 80 : i32
          %add3A_385 = arith.addi %mul3A_289, %add3A_384 : i32
          %get3A_386 = arith.index_cast %scan3A_247 : i32 to index
          %get3A_387 = arith.index_cast %add3A_385 : i32 to index
          %get3A_388 = tpu.vector_load %arg7[%get3A_386, %get3A_387] {strides = array<i32>} : memref<8x4224xf32, #tpu.memory_space<vmem>>, vector<1x16xf32>,
          %get3A_389 = vector.shape_cast %get3A_388 : vector<1x16xf32> to vector<16xf32>
          %exp3A_390 = math.exp %get3A_389 : vector<16xf32>
          %add3A_391 = arith.addf %add3A_372, %exp3A_390 : vector<16xf32>
          %add3A_392 = arith.constant 80 : i32
          %add3A_393 = vector.broadcast %add3A_392 : i32 to vector<16xi32>
          %add3A_394 = arith.addi %scan3A_287, %add3A_393 : vector<16xi32>
          %eq3A_395 = arith.cmpi eq, %add3A_394, %get3A_255 : vector<16xi32>
          %jit3A_396 = arith.constant 0.900000989 : f32
          %jit3A_397 = arith.constant 9.99999997E-7 : f32
          %broadcast_in_dim3A_398 = vector.broadcast %jit3A_396 : f32 to vector<16xf32>
          %broadcast_in_dim3A_399 = vector.broadcast %jit3A_397 : f32 to vector<16xf32>
          %select_n3A_400 = arith.select %eq3A_395, %broadcast_in_dim3A_398, %broadcast_in_dim3A_399 : vector<16xi1>, vector<16xf32>
          %mul3A_401 = arith.mulf %get3A_389, %select_n3A_400 : vector<16xf32>
          %add3A_402 = arith.addf %add3A_383, %mul3A_401 : vector<16xf32>
          %add3A_403 = arith.constant 96 : i32
          %add3A_404 = arith.addi %mul3A_289, %add3A_403 : i32
          %get3A_405 = arith.index_cast %scan3A_247 : i32 to index
          %get3A_406 = arith.index_cast %add3A_404 : i32 to index
          %get3A_407 = tpu.vector_load %arg7[%get3A_405, %get3A_406] {strides = array<i32>} : memref<8x4224xf32, #tpu.memory_space<vmem>>, vector<1x16xf32>,
          %get3A_408 = vector.shape_cast %get3A_407 : vector<1x16xf32> to vector<16xf32>
          %exp3A_409 = math.exp %get3A_408 : vector<16xf32>
          %add3A_410 = arith.addf %add3A_391, %exp3A_409 : vector<16xf32>
          %add3A_411 = arith.constant 96 : i32
          %add3A_412 = vector.broadcast %add3A_411 : i32 to vector<16xi32>
          %add3A_413 = arith.addi %scan3A_287, %add3A_412 : vector<16xi32>
          %eq3A_414 = arith.cmpi eq, %add3A_413, %get3A_255 : vector<16xi32>
          %jit3A_415 = arith.constant 0.900000989 : f32
          %jit3A_416 = arith.constant 9.99999997E-7 : f32
          %broadcast_in_dim3A_417 = vector.broadcast %jit3A_415 : f32 to vector<16xf32>
          %broadcast_in_dim3A_418 = vector.broadcast %jit3A_416 : f32 to vector<16xf32>
          %select_n3A_419 = arith.select %eq3A_414, %broadcast_in_dim3A_417, %broadcast_in_dim3A_418 : vector<16xi1>, vector<16xf32>
          %mul3A_420 = arith.mulf %get3A_408, %select_n3A_419 : vector<16xf32>
          %add3A_421 = arith.addf %add3A_402, %mul3A_420 : vector<16xf32>
          %add3A_422 = arith.constant 112 : i32
          %add3A_423 = arith.addi %mul3A_289, %add3A_422 : i32
          %get3A_424 = arith.index_cast %scan3A_247 : i32 to index
          %get3A_425 = arith.index_cast %add3A_423 : i32 to index
          %get3A_426 = tpu.vector_load %arg7[%get3A_424, %get3A_425] {strides = array<i32>} : memref<8x4224xf32, #tpu.memory_space<vmem>>, vector<1x16xf32>,
          %get3A_427 = vector.shape_cast %get3A_426 : vector<1x16xf32> to vector<16xf32>
          %exp3A_428 = math.exp %get3A_427 : vector<16xf32>
          %add3A_429 = arith.addf %add3A_410, %exp3A_428 : vector<16xf32>
          %add3A_430 = arith.constant 112 : i32
          %add3A_431 = vector.broadcast %add3A_430 : i32 to vector<16xi32>
          %add3A_432 = arith.addi %scan3A_287, %add3A_431 : vector<16xi32>
          %eq3A_433 = arith.cmpi eq, %add3A_432, %get3A_255 : vector<16xi32>
          %jit3A_434 = arith.constant 0.900000989 : f32
          %jit3A_435 = arith.constant 9.99999997E-7 : f32
          %broadcast_in_dim3A_436 = vector.broadcast %jit3A_434 : f32 to vector<16xf32>
          %broadcast_in_dim3A_437 = vector.broadcast %jit3A_435 : f32 to vector<16xf32>
          %select_n3A_438 = arith.select %eq3A_433, %broadcast_in_dim3A_436, %broadcast_in_dim3A_437 : vector<16xi1>, vector<16xf32>
          %mul3A_439 = arith.mulf %get3A_427, %select_n3A_438 : vector<16xf32>
          %add3A_440 = arith.addf %add3A_421, %mul3A_439 : vector<16xf32>
          %add3A_441 = arith.constant 128 : i32
          %add3A_442 = vector.broadcast %add3A_441 : i32 to vector<16xi32>
          %add3A_443 = arith.addi %scan3A_287, %add3A_442 : vector<16xi32>
          scf.yield %add3A_429, %add3A_440, %add3A_443 : vector<16xf32>, vector<16xf32>, vector<16xi32>
        }
        %scan3A_271 = arith.constant 33 : i32
        %mul3A_272 = arith.constant 16 : i32
        %mul3A_273 = arith.muli %add3A_251, %mul3A_272 : i32
        %swap3A = arith.index_cast %mul3A_273 : i32 to index
        %swap3A_274 = tpu.vector_load %arg9[%swap3A] {strides = array<i32>} : memref<512xf32, #tpu.memory_space<vmem>>, vector<16xf32>,
        %swap3A_275 = vector.shape_cast %swap3A_274 : vector<16xf32> to vector<16xf32>
        %swap3A_276 = vector.shape_cast %scan3A_270#0 : vector<16xf32> to vector<16xf32>
        tpu.vector_store %arg9[%swap3A], %swap3A_276 {strides = array<i32>} : memref<512xf32, #tpu.memory_space<vmem>>, vector<16xf32>,
        %mul3A_277 = arith.constant 16 : i32
        %mul3A_278 = arith.muli %add3A_251, %mul3A_277 : i32
        %swap3A_279 = arith.index_cast %mul3A_278 : i32 to index
        %swap3A_280 = tpu.vector_load %arg10[%swap3A_279] {strides = array<i32>} : memref<512xf32, #tpu.memory_space<vmem>>, vector<16xf32>,
        %swap3A_281 = vector.shape_cast %swap3A_280 : vector<16xf32> to vector<16xf32>
        %swap3A_282 = vector.shape_cast %scan3A_270#1 : vector<16xf32> to vector<16xf32>
        tpu.vector_store %arg10[%swap3A_279], %swap3A_282 {strides = array<i32>} : memref<512xf32, #tpu.memory_space<vmem>>, vector<16xf32>,
        %scan3A_283 = arith.constant 0 : i32
        scf.yield %scan3A_283 : i32
      }
      %scan3A_238 = arith.constant 8 : i32
      %add3A_239 = arith.constant 2 : i32
      %add3A_240 = arith.addi %add3A_138, %add3A_239 : i32
      %lt3A_241 = arith.constant 32 : i32
      %lt3A_242 = arith.cmpi slt, %add3A_240, %lt3A_241 : i32
      %convert_element_type3A_243 = arith.extui %lt3A_242 : i1 to i32
      %cond3A_244 = arith.constant 0 : i32
      %cond3A_245 = arith.cmpi ne, %convert_element_type3A_243, %cond3A_244 : i32
      scf.if %cond3A_245 {
        %add3A_247 = arith.constant 2 : i32
        %add3A_248 = arith.addi %add3A_138, %add3A_247 : i32
        %jit3A_249 = arith.constant 8 : i32
        %div3A_250 = arith.divsi %add3A_248, %jit3A_249 : i32
        %sign3A_251 = arith.constant 0 : i32
        %sign3A_252 = arith.cmpi sgt, %add3A_248, %sign3A_251 : i32
        %sign3A_253 = arith.extui %sign3A_252 : i1 to i32
        %sign3A_254 = arith.constant 0 : i32
        %sign3A_255 = arith.cmpi slt, %add3A_248, %sign3A_254 : i32
        %sign3A_256 = arith.extui %sign3A_255 : i1 to i32
        %sign3A_257 = arith.subi %sign3A_253, %sign3A_256 : i32
        %sign3A_258 = arith.constant 0 : i32
        %sign3A_259 = arith.cmpi sgt, %jit3A_249, %sign3A_258 : i32
        %sign3A_260 = arith.extui %sign3A_259 : i1 to i32
        %sign3A_261 = arith.constant 0 : i32
        %sign3A_262 = arith.cmpi slt, %jit3A_249, %sign3A_261 : i32
        %sign3A_263 = arith.extui %sign3A_262 : i1 to i32
        %sign3A_264 = arith.subi %sign3A_260, %sign3A_263 : i32
        %ne3A_265 = arith.cmpi ne, %sign3A_257, %sign3A_264 : i32
        %rem3A_266 = arith.remsi %add3A_248, %jit3A_249 : i32
        %ne3A_267 = arith.constant 0 : i32
        %ne3A_268 = arith.cmpi ne, %rem3A_266, %ne3A_267 : i32
        %and3A_269 = arith.andi %ne3A_265, %ne3A_268 : i1
        %sub3A_270 = arith.constant 1 : i32
        %sub3A_271 = arith.subi %div3A_250, %sub3A_270 : i32
        %select_n3A_272 = arith.select %and3A_269, %sub3A_271, %div3A_250 : i32
        %jit3A_273 = arith.constant 8 : i32
        %eq3A_274 = arith.constant 0 : i32
        %eq3A_275 = arith.cmpi eq, %jit3A_273, %eq3A_274 : i32
        %jit3A_276 = arith.constant 1 : i32
        %select_n3A_277 = arith.select %eq3A_275, %jit3A_276, %jit3A_273 : i32
        %rem3A_278 = arith.remsi %add3A_248, %select_n3A_277 : i32
        %ne3A_279 = arith.constant 0 : i32
        %ne3A_280 = arith.cmpi ne, %rem3A_278, %ne3A_279 : i32
        %lt3A_281 = arith.constant 0 : i32
        %lt3A_282 = arith.cmpi slt, %rem3A_278, %lt3A_281 : i32
        %lt3A_283 = arith.constant 0 : i32
        %lt3A_284 = arith.cmpi slt, %select_n3A_277, %lt3A_283 : i32
        %ne3A_285 = arith.xori %lt3A_282, %lt3A_284 : i1
        %and3A_286 = arith.andi %ne3A_285, %ne3A_280 : i1
        %add3A_287 = arith.addi %rem3A_278, %select_n3A_277 : i32
        %select_n3A_288 = arith.select %and3A_286, %add3A_287, %rem3A_278 : i32
        %mul3A_289 = arith.constant 8 : i32
        %mul3A_290 = arith.muli %mul3A_289, %select_n3A_272 : i32
        %add3A_291 = arith.addi %mul3A_2, %mul3A_290 : i32
        %multiple_of3A_292 = tpu.assume_multiple %add3A_291, 8 : i32
        %mul3A_293 = arith.constant 4224 : i32
        %mul3A_294 = arith.muli %select_n3A_288, %mul3A_293 : i32
        %multiple_of3A_295 = tpu.assume_multiple %mul3A_294, 128 : i32
        %dma_start3A_296 = tpu.memref_slice %arg2[%multiple_of3A_292, %multiple_of3A_295] : memref<1024x33792xf32, #tpu.memory_space<hbm>> -> memref<8x4224xf32, #tpu.memory_space<hbm>>
        %dma_start3A_297 = tpu.memref_slice %arg2[%multiple_of3A_292, %multiple_of3A_295] : memref<1024x33792xf32, #tpu.memory_space<hbm>> -> memref<8x4224xf32, #tpu.memory_space<hbm>>
        tpu.enqueue_dma source(%dma_start3A_297 : memref<8x4224xf32, #tpu.memory_space<hbm>>) target(%arg7 : memref<8x4224xf32, #tpu.memory_space<vmem>>) target_semaphore(%arg12 : memref<!tpu.dma_semaphore, #tpu.memory_space<semaphore_mem>>)
      } else {
      }
      %scan3A_246 = arith.constant 0 : i32
      scf.yield %scan3A_246 : i32
    }
    %scan3A_30 = arith.constant 16 : i32
    %mul3A_31 = arith.constant 16 : i32
    %mul3A_32 = arith.muli %mul3A_2, %mul3A_31 : i32
    "tpu.region"() ({
      %run_scoped3A = tpu.sem_alloc : memref<!tpu.dma_semaphore, #tpu.memory_space<semaphore_mem>>
      %dma_start3A_35 = tpu.memref_slice %arg4[%mul3A_32] : memref<16384xf32, #tpu.memory_space<hbm>> -> memref<512xf32, #tpu.memory_space<hbm>>
      %dma_start3A_36 = tpu.memref_slice %arg4[%mul3A_32] : memref<16384xf32, #tpu.memory_space<hbm>> -> memref<512xf32, #tpu.memory_space<hbm>>
      tpu.enqueue_dma source(%arg9 : memref<512xf32, #tpu.memory_space<vmem>>) target(%dma_start3A_36 : memref<512xf32, #tpu.memory_space<hbm>>) target_semaphore(%run_scoped3A : memref<!tpu.dma_semaphore, #tpu.memory_space<semaphore_mem>>)
      %dma_wait3A = tpu.memref_slice %arg4[%mul3A_32] : memref<16384xf32, #tpu.memory_space<hbm>> -> memref<512xf32, #tpu.memory_space<hbm>>
      %dma_wait3A_37 = tpu.memref_slice %arg4[%mul3A_32] : memref<16384xf32, #tpu.memory_space<hbm>> -> memref<512xf32, #tpu.memory_space<hbm>>
      tpu.wait_dma2 semaphore(%run_scoped3A : memref<!tpu.dma_semaphore, #tpu.memory_space<semaphore_mem>>) src(%arg9 : memref<512xf32, #tpu.memory_space<vmem>>) dst(%dma_wait3A_37 : memref<512xf32, #tpu.memory_space<hbm>>)
      tpu.yield
    }) : () -> ()
    %mul3A_33 = arith.constant 16 : i32
    %mul3A_34 = arith.muli %mul3A_2, %mul3A_33 : i32
    "tpu.region"() ({
      %run_scoped3A = tpu.sem_alloc : memref<!tpu.dma_semaphore, #tpu.memory_space<semaphore_mem>>
      %dma_start3A_35 = tpu.memref_slice %arg5[%mul3A_34] : memref<16384xf32, #tpu.memory_space<hbm>> -> memref<512xf32, #tpu.memory_space<hbm>>
      %dma_start3A_36 = tpu.memref_slice %arg5[%mul3A_34] : memref<16384xf32, #tpu.memory_space<hbm>> -> memref<512xf32, #tpu.memory_space<hbm>>
      tpu.enqueue_dma source(%arg10 : memref<512xf32, #tpu.memory_space<vmem>>) target(%dma_start3A_36 : memref<512xf32, #tpu.memory_space<hbm>>) target_semaphore(%run_scoped3A : memref<!tpu.dma_semaphore, #tpu.memory_space<semaphore_mem>>)
      %dma_wait3A = tpu.memref_slice %arg5[%mul3A_34] : memref<16384xf32, #tpu.memory_space<hbm>> -> memref<512xf32, #tpu.memory_space<hbm>>
      %dma_wait3A_37 = tpu.memref_slice %arg5[%mul3A_34] : memref<16384xf32, #tpu.memory_space<hbm>> -> memref<512xf32, #tpu.memory_space<hbm>>
      tpu.wait_dma2 semaphore(%run_scoped3A : memref<!tpu.dma_semaphore, #tpu.memory_space<semaphore_mem>>) src(%arg10 : memref<512xf32, #tpu.memory_space<vmem>>) dst(%dma_wait3A_37 : memref<512xf32, #tpu.memory_space<hbm>>)
      tpu.yield
    }) : () -> ()
    return
  }
}

module attributes {stable_mosaic.version = 14 : i64} {
  func.func @_tc_body(%arg0: i32, %arg1: i32, %arg2: memref<128x8448xf32, #tpu.memory_space<vmem>>, %arg3: memref<128x1xi32, #tpu.memory_space<vmem>>, %arg4: memref<128x1xf32, #tpu.memory_space<vmem>>, %arg5: memref<128x1xf32, #tpu.memory_space<vmem>>, %arg6: memref<128x1xf32, #tpu.memory_space<vmem>>, %arg7: memref<128x1xf32, #tpu.memory_space<vmem>>) attributes {dimension_semantics = [#tpu.dimension_semantics<arbitrary>, #tpu.dimension_semantics<arbitrary>], iteration_bounds = array<i64: 8, 8>, scalar_prefetch = 0 : i64, scratch_operands = 2 : i64, tpu.core_type = #tpu.core_type<tc>, window_params = [{transform_indices = @transform_0, window_bounds = array<i64: 128, 8448>}, {transform_indices = @transform_1, window_bounds = array<i64: 128, 1>}, {transform_indices = @transform_2, window_bounds = array<i64: 128, 1>}, {transform_indices = @transform_3, window_bounds = array<i64: 128, 1>}]} {
    %get3A = arith.constant 0 : index
    %get3A_0 = arith.constant 0 : index
    %get3A_1 = vector.load %arg2[%get3A, %get3A_0] : memref<128x8448xf32, #tpu.memory_space<vmem>>, vector<128x8448xf32>
    %iota3A = tpu.iota {dimensions = array<i32: 1>} : vector<128x8448xi32>
    %mul3A = arith.constant 8448 : i32
    %mul3A_2 = arith.muli %arg1, %mul3A : i32
    %add3A = arith.constant 33792 : i32
    %add3A_3 = arith.addi %mul3A_2, %add3A : i32
    %add3A_4 = vector.broadcast %add3A_3 : i32 to vector<128x8448xi32>
    %add3A_5 = arith.addi %iota3A, %add3A_4 : vector<128x8448xi32>
    %get3A_6 = arith.constant 0 : index
    %get3A_7 = arith.constant 0 : index
    %get3A_8 = vector.load %arg3[%get3A_6, %get3A_7] : memref<128x1xi32, #tpu.memory_space<vmem>>, vector<128x1xi32>
    %lt3A = arith.constant 7 : i32
    %lt3A_9 = arith.cmpi slt, %arg1, %lt3A : i32
    %convert_element_type3A = arith.extui %lt3A_9 : i1 to i32
    %cond3A = arith.constant 0 : i32
    %cond3A_10 = arith.cmpi ne, %convert_element_type3A, %cond3A : i32
    scf.if %cond3A_10 {
      %exp3A = math.exp %get3A_1 : vector<128x8448xf32>
      %reduce_sum3A = arith.constant dense<0.000000e+00> : vector<128xf32>
      %reduce_sum3A_15 = vector.multi_reduction <add>, %exp3A, %reduce_sum3A [1] : vector<128x8448xf32> to vector<128xf32>
      %broadcast_in_dim3A = vector.shape_cast %reduce_sum3A_15 : vector<128xf32> to vector<128x1xf32>
      %eq3A_16 = vector.broadcast %get3A_8 : vector<128x1xi32> to vector<128x8448xi32>
      %eq3A_17 = arith.cmpi eq, %add3A_5, %eq3A_16 : vector<128x8448xi32>
      %jit3A = arith.constant 0.900000989 : f32
      %jit3A_18 = arith.constant 9.99999997E-7 : f32
      %broadcast_in_dim3A_19 = vector.broadcast %jit3A : f32 to vector<128x8448xf32>
      %broadcast_in_dim3A_20 = vector.broadcast %jit3A_18 : f32 to vector<128x8448xf32>
      %select_n3A = arith.select %eq3A_17, %broadcast_in_dim3A_19, %broadcast_in_dim3A_20 : vector<128x8448xi1>, vector<128x8448xf32>
      %mul3A_21 = arith.mulf %get3A_1, %select_n3A : vector<128x8448xf32>
      %reduce_sum3A_22 = arith.constant dense<0.000000e+00> : vector<128xf32>
      %reduce_sum3A_23 = vector.multi_reduction <add>, %mul3A_21, %reduce_sum3A_22 [1] : vector<128x8448xf32> to vector<128xf32>
      %broadcast_in_dim3A_24 = vector.shape_cast %reduce_sum3A_23 : vector<128xf32> to vector<128x1xf32>
      %eq3A_25 = arith.constant 0 : i32
      %eq3A_26 = arith.cmpi eq, %arg1, %eq3A_25 : i32
      %convert_element_type3A_27 = arith.extui %eq3A_26 : i1 to i32
      %cond3A_28 = arith.constant 0 : i32
      %cond3A_29 = arith.cmpi ne, %convert_element_type3A_27, %cond3A_28 : i32
      scf.if %cond3A_29 {
        %swap3A = arith.constant 0 : index
        %swap3A_34 = arith.constant 0 : index
        %swap3A_35 = vector.load %arg6[%swap3A, %swap3A_34] : memref<128x1xf32, #tpu.memory_space<vmem>>, vector<128x1xf32>
        tpu.vector_store %arg6[%swap3A, %swap3A_34], %broadcast_in_dim3A {strides = array<i32>} : memref<128x1xf32, #tpu.memory_space<vmem>>, vector<128x1xf32>,
        %swap3A_36 = arith.constant 0 : index
        %swap3A_37 = arith.constant 0 : index
        %swap3A_38 = vector.load %arg7[%swap3A_36, %swap3A_37] : memref<128x1xf32, #tpu.memory_space<vmem>>, vector<128x1xf32>
        tpu.vector_store %arg7[%swap3A_36, %swap3A_37], %broadcast_in_dim3A_24 {strides = array<i32>} : memref<128x1xf32, #tpu.memory_space<vmem>>, vector<128x1xf32>,
      } else {
      }
      %gt3A = arith.constant 0 : i32
      %gt3A_30 = arith.cmpi sgt, %arg1, %gt3A : i32
      %convert_element_type3A_31 = arith.extui %gt3A_30 : i1 to i32
      %cond3A_32 = arith.constant 0 : i32
      %cond3A_33 = arith.cmpi ne, %convert_element_type3A_31, %cond3A_32 : i32
      scf.if %cond3A_33 {
        %get3A_34 = arith.constant 0 : index
        %get3A_35 = arith.constant 0 : index
        %get3A_36 = vector.load %arg6[%get3A_34, %get3A_35] : memref<128x1xf32, #tpu.memory_space<vmem>>, vector<128x1xf32>
        %add3A_37 = arith.addf %get3A_36, %broadcast_in_dim3A : vector<128x1xf32>
        %swap3A = arith.constant 0 : index
        %swap3A_38 = arith.constant 0 : index
        %swap3A_39 = vector.load %arg6[%swap3A, %swap3A_38] : memref<128x1xf32, #tpu.memory_space<vmem>>, vector<128x1xf32>
        tpu.vector_store %arg6[%swap3A, %swap3A_38], %add3A_37 {strides = array<i32>} : memref<128x1xf32, #tpu.memory_space<vmem>>, vector<128x1xf32>,
        %get3A_40 = arith.constant 0 : index
        %get3A_41 = arith.constant 0 : index
        %get3A_42 = vector.load %arg7[%get3A_40, %get3A_41] : memref<128x1xf32, #tpu.memory_space<vmem>>, vector<128x1xf32>
        %add3A_43 = arith.addf %get3A_42, %broadcast_in_dim3A_24 : vector<128x1xf32>
        %swap3A_44 = arith.constant 0 : index
        %swap3A_45 = arith.constant 0 : index
        %swap3A_46 = vector.load %arg7[%swap3A_44, %swap3A_45] : memref<128x1xf32, #tpu.memory_space<vmem>>, vector<128x1xf32>
        tpu.vector_store %arg7[%swap3A_44, %swap3A_45], %add3A_43 {strides = array<i32>} : memref<128x1xf32, #tpu.memory_space<vmem>>, vector<128x1xf32>,
      } else {
      }
    } else {
    }
    %eq3A = arith.constant 7 : i32
    %eq3A_11 = arith.cmpi eq, %arg1, %eq3A : i32
    %convert_element_type3A_12 = arith.extui %eq3A_11 : i1 to i32
    %cond3A_13 = arith.constant 0 : i32
    %cond3A_14 = arith.cmpi ne, %convert_element_type3A_12, %cond3A_13 : i32
    scf.if %cond3A_14 {
      %lt3A_15 = arith.constant 100000 : i32
      %lt3A_16 = vector.broadcast %lt3A_15 : i32 to vector<128x8448xi32>
      %lt3A_17 = arith.cmpi slt, %add3A_5, %lt3A_16 : vector<128x8448xi32>
      %jit3A = arith.constant 0.000000e+00 : f32
      %broadcast_in_dim3A = vector.broadcast %jit3A : f32 to vector<128x8448xf32>
      %select_n3A = arith.select %lt3A_17, %get3A_1, %broadcast_in_dim3A : vector<128x8448xi1>, vector<128x8448xf32>
      %exp3A = math.exp %get3A_1 : vector<128x8448xf32>
      %jit3A_18 = arith.constant 0.000000e+00 : f32
      %broadcast_in_dim3A_19 = vector.broadcast %jit3A_18 : f32 to vector<128x8448xf32>
      %select_n3A_20 = arith.select %lt3A_17, %exp3A, %broadcast_in_dim3A_19 : vector<128x8448xi1>, vector<128x8448xf32>
      %reduce_sum3A = arith.constant dense<0.000000e+00> : vector<128xf32>
      %reduce_sum3A_21 = vector.multi_reduction <add>, %select_n3A_20, %reduce_sum3A [1] : vector<128x8448xf32> to vector<128xf32>
      %broadcast_in_dim3A_22 = vector.shape_cast %reduce_sum3A_21 : vector<128xf32> to vector<128x1xf32>
      %eq3A_23 = vector.broadcast %get3A_8 : vector<128x1xi32> to vector<128x8448xi32>
      %eq3A_24 = arith.cmpi eq, %add3A_5, %eq3A_23 : vector<128x8448xi32>
      %jit3A_25 = arith.constant 0.900000989 : f32
      %jit3A_26 = arith.constant 9.99999997E-7 : f32
      %broadcast_in_dim3A_27 = vector.broadcast %jit3A_25 : f32 to vector<128x8448xf32>
      %broadcast_in_dim3A_28 = vector.broadcast %jit3A_26 : f32 to vector<128x8448xf32>
      %select_n3A_29 = arith.select %eq3A_24, %broadcast_in_dim3A_27, %broadcast_in_dim3A_28 : vector<128x8448xi1>, vector<128x8448xf32>
      %mul3A_30 = arith.mulf %select_n3A, %select_n3A_29 : vector<128x8448xf32>
      %reduce_sum3A_31 = arith.constant dense<0.000000e+00> : vector<128xf32>
      %reduce_sum3A_32 = vector.multi_reduction <add>, %mul3A_30, %reduce_sum3A_31 [1] : vector<128x8448xf32> to vector<128xf32>
      %broadcast_in_dim3A_33 = vector.shape_cast %reduce_sum3A_32 : vector<128xf32> to vector<128x1xf32>
      %eq3A_34 = arith.constant 0 : i32
      %eq3A_35 = arith.cmpi eq, %arg1, %eq3A_34 : i32
      %convert_element_type3A_36 = arith.extui %eq3A_35 : i1 to i32
      %cond3A_37 = arith.constant 0 : i32
      %cond3A_38 = arith.cmpi ne, %convert_element_type3A_36, %cond3A_37 : i32
      scf.if %cond3A_38 {
        %swap3A_54 = arith.constant 0 : index
        %swap3A_55 = arith.constant 0 : index
        %swap3A_56 = vector.load %arg6[%swap3A_54, %swap3A_55] : memref<128x1xf32, #tpu.memory_space<vmem>>, vector<128x1xf32>
        tpu.vector_store %arg6[%swap3A_54, %swap3A_55], %broadcast_in_dim3A_22 {strides = array<i32>} : memref<128x1xf32, #tpu.memory_space<vmem>>, vector<128x1xf32>,
        %swap3A_57 = arith.constant 0 : index
        %swap3A_58 = arith.constant 0 : index
        %swap3A_59 = vector.load %arg7[%swap3A_57, %swap3A_58] : memref<128x1xf32, #tpu.memory_space<vmem>>, vector<128x1xf32>
        tpu.vector_store %arg7[%swap3A_57, %swap3A_58], %broadcast_in_dim3A_33 {strides = array<i32>} : memref<128x1xf32, #tpu.memory_space<vmem>>, vector<128x1xf32>,
      } else {
      }
      %gt3A = arith.constant 0 : i32
      %gt3A_39 = arith.cmpi sgt, %arg1, %gt3A : i32
      %convert_element_type3A_40 = arith.extui %gt3A_39 : i1 to i32
      %cond3A_41 = arith.constant 0 : i32
      %cond3A_42 = arith.cmpi ne, %convert_element_type3A_40, %cond3A_41 : i32
      scf.if %cond3A_42 {
        %get3A_54 = arith.constant 0 : index
        %get3A_55 = arith.constant 0 : index
        %get3A_56 = vector.load %arg6[%get3A_54, %get3A_55] : memref<128x1xf32, #tpu.memory_space<vmem>>, vector<128x1xf32>
        %add3A_57 = arith.addf %get3A_56, %broadcast_in_dim3A_22 : vector<128x1xf32>
        %swap3A_58 = arith.constant 0 : index
        %swap3A_59 = arith.constant 0 : index
        %swap3A_60 = vector.load %arg6[%swap3A_58, %swap3A_59] : memref<128x1xf32, #tpu.memory_space<vmem>>, vector<128x1xf32>
        tpu.vector_store %arg6[%swap3A_58, %swap3A_59], %add3A_57 {strides = array<i32>} : memref<128x1xf32, #tpu.memory_space<vmem>>, vector<128x1xf32>,
        %get3A_61 = arith.constant 0 : index
        %get3A_62 = arith.constant 0 : index
        %get3A_63 = vector.load %arg7[%get3A_61, %get3A_62] : memref<128x1xf32, #tpu.memory_space<vmem>>, vector<128x1xf32>
        %add3A_64 = arith.addf %get3A_63, %broadcast_in_dim3A_33 : vector<128x1xf32>
        %swap3A_65 = arith.constant 0 : index
        %swap3A_66 = arith.constant 0 : index
        %swap3A_67 = vector.load %arg7[%swap3A_65, %swap3A_66] : memref<128x1xf32, #tpu.memory_space<vmem>>, vector<128x1xf32>
        tpu.vector_store %arg7[%swap3A_65, %swap3A_66], %add3A_64 {strides = array<i32>} : memref<128x1xf32, #tpu.memory_space<vmem>>, vector<128x1xf32>,
      } else {
      }
      %get3A_43 = arith.constant 0 : index
      %get3A_44 = arith.constant 0 : index
      %get3A_45 = vector.load %arg6[%get3A_43, %get3A_44] : memref<128x1xf32, #tpu.memory_space<vmem>>, vector<128x1xf32>
      %swap3A = arith.constant 0 : index
      %swap3A_46 = arith.constant 0 : index
      %swap3A_47 = vector.load %arg4[%swap3A, %swap3A_46] : memref<128x1xf32, #tpu.memory_space<vmem>>, vector<128x1xf32>
      tpu.vector_store %arg4[%swap3A, %swap3A_46], %get3A_45 {strides = array<i32>} : memref<128x1xf32, #tpu.memory_space<vmem>>, vector<128x1xf32>,
      %get3A_48 = arith.constant 0 : index
      %get3A_49 = arith.constant 0 : index
      %get3A_50 = vector.load %arg7[%get3A_48, %get3A_49] : memref<128x1xf32, #tpu.memory_space<vmem>>, vector<128x1xf32>
      %swap3A_51 = arith.constant 0 : index
      %swap3A_52 = arith.constant 0 : index
      %swap3A_53 = vector.load %arg5[%swap3A_51, %swap3A_52] : memref<128x1xf32, #tpu.memory_space<vmem>>, vector<128x1xf32>
      tpu.vector_store %arg5[%swap3A_51, %swap3A_52], %get3A_50 {strides = array<i32>} : memref<128x1xf32, #tpu.memory_space<vmem>>, vector<128x1xf32>,
    } else {
    }
    return
  }
  func.func @transform_0(%arg0: i32, %arg1: i32) -> (i32, i32) {
    %add3A = arith.constant 4 : i32
    %add3A_0 = arith.addi %arg1, %add3A : i32
    %c0_i32 = arith.constant 0 : i32
    return %arg0, %add3A_0 : i32, i32
  }
  func.func @transform_1(%arg0: i32, %arg1: i32) -> (i32, i32) {
    %c0_i32 = arith.constant 0 : i32
    %c0_i32_0 = arith.constant 0 : i32
    return %arg0, %c0_i32 : i32, i32
  }
  func.func @transform_2(%arg0: i32, %arg1: i32) -> (i32, i32) {
    %c0_i32 = arith.constant 0 : i32
    %c0_i32_0 = arith.constant 0 : i32
    return %arg0, %c0_i32 : i32, i32
  }
  func.func @transform_3(%arg0: i32, %arg1: i32) -> (i32, i32) {
    %c0_i32 = arith.constant 0 : i32
    %c0_i32_0 = arith.constant 0 : i32
    return %arg0, %c0_i32 : i32, i32
  }
}

</mosaic_0001>

<sc_bundles>
// kernel: kernel.4.cloned.1.call-start
scs
__scs_entry_jumppad:
0x0: {  	(pc) =	sbr.rel $0x88, $3  }
0x1: {  	(tag) =	ssettag $0x0;
	lr =	simm.s32 $0x1  }
0x2: {  	[smem:$0x3F9F] =	sst lr;
	_ =	strace $0xD0000000  }
0x3: {  	_ = 	snop  }
0x4: {  	_ = 	snop  }
0x5: {  	_ = 	snop  }
0x6: {  	_ = 	snop  }
0x7: {  	_ = 	snop  }
__scs_overlays_trampoline_lowered:
0x8: {  	[smem:$0x3FAE] =	sst s0  }
0x9: {  	[smem:$0x3FAF] =	sst s1  }
0xa: {  	[smem:$0x3FB0] =	sst s2  }
0xb: {  	[smem:$0x3FB1] =	sst s3  }
0xc: {  	[smem:$0x3FB2] =	sst s4  }
0xd: {  	[smem:$0x3FB3] =	sst s5  }
0xe: {  	[smem:$0x3FB4] =	sst s6  }
0xf: {  	[smem:$0x3FB5] =	sst s7  }
0x10: {  	[smem:$0x3FB6] =	sst s8  }
0x11: {  	[smem:$0x3FB7] =	sst s9;
	s0 =	simm.s32 @!p0 $0x0  }
0x12: {  	s1 =	sld [smem:$0x3F9D];
	s0 =	simm.s32 @p0 $0x1  }
0x13: {  	[smem:$0x3FB8] =	sst s0;
	s0 =	simm.s32 @!p1 $0x0  }
0x14: {  	s2 =	sld [smem:$0x3F9C];
	s0 =	simm.s32 @p1 $0x1  }
0x15: {  	[smem:$0x3FB9] =	sst s0;
	s0 =	simm.s32 @!p2 $0x0  }
0x16: {  	s3 =	sld [smem:$0x3FDB];
	s0 =	simm.s32 @p2 $0x1  }
0x17: {  	s4 =	simm.s32 $0x1BF5;
	[smem:$0x3FBB] =	sst s0  }
0x18: {  	s0 =	sld [smem:$0x3F9E];
	_ =	swait.ge [sflag:s4], $0x0  }
0x19: {  	s7 =	sld [smem:$0x3F9F]  }
0x1a: {  	s8 =	sadd.s32 $0xFFFFE003, lr  }
0x1b: {  	s9 =	sadd.s32 $0xFFFFFEF7, lr;
	s5 =	simm.s32 $0xFFFFFFFF;
	p2 =	slt.u32 s8, $0xFFFFF086  }
0x1c: {  	p1 =	slt.u32 s9, $0xF7A;
	s5 =	simm.s32 @!p2 $0x0  }
0x1d: {  	s5 =	simm.s32 @p1 $0x1;
	p0 =	seq.s32 s7, s2  }
0x1e: {  	s7 =	smul.u32 @!p0 $0xF7A, s2;
	p2 =	seq.s32 @!p0 s5, $0x0  }
0x1f: {  	s9 =	smul.u32 $0xF7A, s1;
	s8 =	simm.s32 @!p0 $0x1BF5;
	p2 =	por !p2, p0  }
0x20: {  	[sflag:s8] =	ssyncset.s32 @!p0 $0xFFFFF086;
	s6 =	sadd.s32 @!p0 s3, s7;
	s7 =	simm.s32 @!p0 $0x108  }
0x21: {  	s3 =	sadd.s32 s3, s9;
	s6 =	sadd.s32 @!p0 $0x88, s6;
	s7 =	simm.s32 @p2 $0x1082  }
0x22: {  	[simem:s7], [sflag:s8] =	dma.local @!p0 [hbm:s6], $0xF7A  }
0x23: {  	s9 =	sor.u32 $0xD0000000, s2;
	s6 =	simm.s32 $0x108;
	_ =	swait.ge @!p0 [sflag:s8], $0x0  }
0x24: {  	s3 =	sadd.s32 $0x88, s3;
	s6 =	simm.s32 @!p1 $0x1082;
	[sflag:s4] =	ssyncset.s32 $0xFFFFF086  }
0x25: {  	[simem:s6], [sflag:s4] =	dma.local [hbm:s3], $0xF7A  }
0x26: {  	[smem:$0x3F9F] =	sst s1;
	(tag) =	ssettag s2;
	_ =	strace s9  }
0x27: {  	s1 =	sld [smem:$0x3FAF]  }
0x28: {  	s2 =	sld [smem:$0x3FB0]  }
0x29: {  	s4 =	sld [smem:$0x3FB2]  }
0x2a: {  	p0 =	seq.s32 s5, $0x0;
	s5 =	sld [smem:$0x3FB3]  }
0x2b: {  	s6 =	sld [smem:$0x3FB4]  }
0x2c: {  	s7 =	sld [smem:$0x3FB5]  }
0x2d: {  	s3 =	simm.s32 $0x108;
	s8 =	sld [smem:$0x3FB6]  }
0x2e: {  	s3 =	simm.s32 @!p0 $0x1082;
	s9 =	sld [smem:$0x3FB7]  }
0x2f: {  	lr =	sadd.s32 s0, s3;
	s0 =	sld [smem:$0x3FAE]  }
0x30: {  	s3 =	sld [smem:$0x3FB1]  }
0x31: {  	[smem:$0x3FBA] =	sst s10  }
0x32: {  	s10 =	sld [smem:$0x3FB8];
	_ =	sdelay $0x3  }
0x33: {  	p0 =	seq.s32 s10, $0x1;
	s10 =	sld [smem:$0x3FBA];
	_ =	sdelay $0x3  }
0x34: {  	[smem:$0x3FBA] =	sst s10  }
0x35: {  	s10 =	sld [smem:$0x3FB9];
	_ =	sdelay $0x3  }
0x36: {  	p1 =	seq.s32 s10, $0x1;
	s10 =	sld [smem:$0x3FBA];
	_ =	sdelay $0x3  }
0x37: {  	[smem:$0x3FBA] =	sst s10  }
0x38: {  	s10 =	sld [smem:$0x3FBB]  }
0x39: {  	_ = 	snop;
	(pc) =	sbr.ind lr, $3  }
0x3a: {  	_ = 	snop  }
0x3b: {  	_ = 	snop  }
0x3c: {  	p2 =	seq.s32 s10, $0x1;
	s10 =	sld [smem:$0x3FBA]  }
0x3d: {  	_ =	shalt  }
0x3e: {  	_ =	shalt  }
0x3f: {  	_ =	shalt  }
0x40: {  	_ =	shalt  }
0x41: {  	_ =	shalt  }
0x42: {  	_ =	shalt  }
0x43: {  	_ =	shalt  }
0x44: {  	_ =	shalt  }
0x45: {  	_ =	shalt  }
0x46: {  	_ =	shalt  }
0x47: {  	_ =	shalt  }
0x48: {  	_ =	shalt  }
0x49: {  	_ =	shalt  }
0x4a: {  	_ =	shalt  }
0x4b: {  	_ =	shalt  }
0x4c: {  	_ =	shalt  }
0x4d: {  	_ =	shalt  }
0x4e: {  	_ =	shalt  }
0x4f: {  	_ =	shalt  }
0x50: {  	_ =	shalt  }
0x51: {  	_ =	shalt  }
0x52: {  	_ =	shalt  }
0x53: {  	_ =	shalt  }
0x54: {  	_ =	shalt  }
0x55: {  	_ =	shalt  }
0x56: {  	_ =	shalt  }
0x57: {  	_ =	shalt  }
0x58: {  	_ =	shalt  }
0x59: {  	_ =	shalt  }
0x5a: {  	_ =	shalt  }
0x5b: {  	_ =	shalt  }
0x5c: {  	_ =	shalt  }
0x5d: {  	_ =	shalt  }
0x5e: {  	_ =	shalt  }
0x5f: {  	_ =	shalt  }
0x60: {  	_ =	shalt  }
0x61: {  	_ =	shalt  }
0x62: {  	_ =	shalt  }
0x63: {  	_ =	shalt  }
0x64: {  	_ =	shalt  }
0x65: {  	_ =	shalt  }
0x66: {  	_ =	shalt  }
0x67: {  	_ =	shalt  }
0x68: {  	_ =	shalt  }
0x69: {  	_ =	shalt  }
0x6a: {  	_ =	shalt  }
0x6b: {  	_ =	shalt  }
0x6c: {  	_ =	shalt  }
0x6d: {  	_ =	shalt  }
0x6e: {  	_ =	shalt  }
0x6f: {  	_ =	shalt  }
0x70: {  	_ =	shalt  }
0x71: {  	_ =	shalt  }
0x72: {  	_ =	shalt  }
0x73: {  	_ =	shalt  }
0x74: {  	_ =	shalt  }
0x75: {  	_ =	shalt  }
0x76: {  	_ =	shalt  }
0x77: {  	_ =	shalt  }
0x78: {  	_ =	shalt  }
0x79: {  	_ =	shalt  }
0x7a: {  	_ =	shalt  }
0x7b: {  	_ =	shalt  }
0x7c: {  	_ =	shalt  }
0x7d: {  	_ =	shalt  }
0x7e: {  	_ =	shalt  }
0x7f: {  	_ =	shalt  }
0x80: {  	_ =	shalt  }
0x81: {  	_ =	shalt  }
0x82: {  	_ =	shalt  }
0x83: {  	_ =	shalt  }
0x84: {  	_ =	shalt  }
0x85: {  	_ =	shalt  }
0x86: {  	_ =	shalt  }
0x87: {  	_ =	shalt  }
.Lfunc_end0:
.L_simem_size_0:
called_computation_lowered:
.L_overlay_start_0:
0x88: {  	s2 =	sld [smem:$0x3FD9]  }
0x89: {  	s3 =	sld [smem:$0x3FFE];
	_ =	sdelay $0x1  }
0x8a: {  	s1 =	srdreg.scid  }
0x8b: {  	s0 =	sand.u32 $0x1, s1  }
0x8c: {  	s16 =	sshll.u32 s0, $0xA;
	s2 =	sadd.s32 s3, s2  }
0x8d: {  	s2 =	sadd.s32 s2, s16  }
0x8e: {  	[smem:$0x3FC6] =	sst s2  }
0x8f: {  	_ = 	snop  }
0x90: {  	(tm) =	ssettm $0x1  }
0x91: {  	s17 =	sld [smem:$0x3FFB];
	_ =	sdelay $0x3  }
0x92: {  	_ =	strace s17  }
0x93: {  	s2 =	sld [smem:$0x3FFC];
	_ =	sdelay $0x3  }
0x94: {  	_ =	strace s2  }
0x95: {  	s2 =	sld [smem:$0x3FFD];
	_ =	sdelay $0x3  }
0x96: {  	_ =	strace s2  }
0x97: {  	_ =	strace $0x8FFFFFFF  }
0x98: {  	s18 =	sld [smem:$0x3FDB];
	_ =	sdelay $0x1  }
0x99: {  	s19 =	simm.s32 $_scs_section_size  }
0x9a: {  	s4 =	simm.s32 $_size__tile_overlayer_lowered;
	s5 =	simm.s32 $_tile_overlayer_lowered  }
0x9b: {  	s22 =	simm.s32 $0x1BFF;
	s21 =	sshll.u32 s5, $0x1;
	s2 =	sadd.s32 s19, s18  }
0x9c: {  	s6 =	simm.s32 $0x0;
	s20 =	sshll.u32 s4, $0x1;
	s4 =	sadd.s32 s21, s2  }
0x9d: {  	[timem:s6], [sflag:s22] =	dma.local [hbm:s4], s20  }
0x9e: {  	_ =	swait.ge [sflag:s22], s20  }
0x9f: {  	s3 =	ssub.s32 $0x0, s20;
	[sflag:s22] =	ssyncset.done $0x0  }
0xa0: {  	[sflag:s22] =	ssyncadd.s32 s3;
	_ =	sdelay $0x1  }
0xa1: {  	s23 =	simm.s32 $0x1B8B  }
0xa2: {  	_ =	swait.ge [sflag:s23], $0x1  }
0xa3: {  	[sflag:s23] =	ssyncset.done $0x0  }
0xa4: {  	s25 =	simm.s32 $0x1B8E;
	s24 =	sld [smem:$0x3FFE];
	[sflag:s23] =	ssyncadd.s32 $0xFFFFFFFF  }
0xa5: {  	s26 =	simm.s32 $execute0_lowered;
	[smem:$0x3FD2] =	sst s25  }
0xa6: {  	s4 =	sshll.u32 s26, $0x1;
	_ =	strace $0x80000046;
	[dreg:$0x1] =	wrdreg $0xFFFFFFFF  }
0xa7: {  	s28 =	simm.s32 $_size_execute0_lowered;
	s2 =	sadd.s32 s2, s4;
	[dreg:$0x0] =	wrdreg $0x0  }
0xa8: {  	s4 =	sshll.u32 s28, $0x1;
	[dreg:$0x2] =	wrdreg s2  }
0xa9: {  	[dreg:$0x3] =	wrdreg s4  }
0xaa: {  	[dreg:$0x4] =	wrdreg $0xC0  }
0xab: {  	_ =	task [dreg:s6], $0x5FFFF  }
0xac: {  	[dreg:$0x1] =	wrdreg $0xFFFFFFFF  }
0xad: {  	[dreg:$0x0] =	wrdreg $0x60  }
0xae: {  	[dreg:$0x2] =	wrdreg s24  }
0xaf: {  	[dreg:$0x3] =	wrdreg $0x9  }
0xb0: {  	_ =	task.clear_ibuf [dreg:s6], $0x4FFFF;
	_ =	strace $0x90000046  }
0xb1: {  	s29 =	simm.s32 $0x9;
	_ =	strace $0x80000048  }
0xb2: {  	_ =	swait.ge [sflag:s29], $0x1  }
0xb3: {  	[sflag:s29] =	ssyncadd.s32 $0xFFFFFFFF  }
0xb4: {  	_ =	strace $0x90000048  }
0xb5: {  	_ =	sfence  }
0xb6: {  	s30 =	sld [smem:$0x0];
	_ =	sdelay $0x2  }
0xb7: {  	s31 =	sshll.u32 s1, $0xD;
	s1 =	sshrl.u32 s1, $0x2  }
0xb8: {  	s3 =	sand.u32 $0x4000, s31;
	s1 =	sadd.s32 s1, s30  }
0xb9: {  	s0 =	sor.u32 s3, s0;
	s1 =	sshll.u32 s1, $0x11  }
0xba: {  	s0 =	sor.u32 s1, s0  }
0xbb: {  	s0 =	sadd.s32 $0x8F2B, s0  }
0xbc: {  	[sflag:s0] =	ssyncadd.remote.s32 $0x1  }
0xbd: {  	_ =	sfence.sel $0xFFFF  }
0xbe: {  	[dreg:$0x0] =	wrdreg $0xFFFFFFFF;
	(pc) =	sbr.abs _section_cstart, $3  }
0xbf: {  	[dreg:$0x1] =	wrdreg $0xFFFFFFFF  }
0xc0: {  	_ =	task.clear_ibuf [dreg:s6], $0x2FFFF;
	_ =	strace $0x9FFFFFFF  }
0xc1: {  	(tm) =	ssettm $0x7FFFFFFF  }
tec
execute0_lowered:
.L_overlay_start_1:
0x0: {  	(tag) =	ssettag $0x1  }
0x1: {  	s4 =	rddreg [dreg:$0x0]  }
0x2: {  	s0 =	rddreg [dreg:$0x1]  }
0x3: {  	s3 =	srdreg.scid;
	s1 =	stileid.u32  }
0x4: {  	s2 =	simm.s32 $0x0;
	s12 =	simm.s32 $0x3;
	s13 =	simm.s32 $0x8400  }
0x5: {  	s14 =	simm.s32 $0x1;
	s15 =	simm.s32 $0x2;
	s16 =	simm.s32 $0x10A00  }
0x6: {  	s17 =	simm.s32 $0x10C00;
	s3 =	sand.u32 $0x1, s3;
	s5 =	sshll.u32 s1, $0x1  }
0x7: {  	s18 =	simm.s32 $0x0;
	[smem:$0x7FF] =	sst s2;
	s5 =	sor.u32 s3, s5  }
0x8: {  	_ =	strace $0x80000047;
	s6 =	ssub.s32 $0x2, s3;
	s7 =	smul.u32 $0x108000, s5  }
.Ltmp0:
0x9: {  	s8 =	sshll.u32 s5, $0x6;
	s9 =	sshrl.u32 s6, $0x1;
	(pc) =	sbr.rel .LBB2_1-.Ltmp0, $4  }
0xa: {  	s3 =	sadd.s32 $0xC38000, s4;
	s10 =	sadd.s32 s8, s4;
	s11 =	ssub.s32 s6, s9  }
0xb: {  	s4 =	sshll.u32 s5, $0x2;
	s31 =	sshrl.u32 s7, $0x3;
	s5 =	sadd.s32 $0x1058000, s10  }
0xc: {  	s8 =	sadd.s32 $0x1059000, s10;
	s9 =	sadd.s32 $0x1058800, s10;
	s6 =	sadd.s32 s3, s31  }
0xd: {  	v0 =	vimm.f32 $0.0e+00;
	v1 =	vlaneseq.u32;
	v2 =	vimm.f32 $9.999999970e-07;
	s10 =	smax.u32 s11, $0x1;
	s11 =	simm.s32 $0x10800;
	s7 =	sadd.s32 $0x1080, s6  }
.LBB2_14:
0xe: {  	[hbm4b:s8+s2] =	stream.linear.scatter [tilespmem:s16], [sflag:$0x3], $0x200, $0x38;
	[tilespmem:$0x10E00] =	vst v63  }
0xf: {  	s18 =	sadd.s32 $0x1, s18;
	_ =	swait.ge [sflag:s12], $0x200  }
0x10: {  	p0 =	sne.s32 s18, s10;
	[sflag:s12] =	ssyncset.done $0x0  }
.Ltmp1:
0x11: {  	[sflag:s12] =	ssyncadd.s32 $0xFFFFFE00;
	(pc) =	sbr.rel @!p0 .LBB2_15-.Ltmp1, $4  }
0x12: {  	[hbm4b:s9+s2] =	stream.linear.scatter [tilespmem:s17], [sflag:$0x3], $0x200, $0x38;
	[tilespmem:$0x10E00] =	vst v63  }
0x13: {  	_ =	swait.ge [sflag:s12], $0x200  }
0x14: {  	[sflag:s12] =	ssyncset.done $0x0  }
0x15: {  	[sflag:s12] =	ssyncadd.s32 $0xFFFFFE00  }
.LBB2_1:
0x16: {  	[tilespmem:s11], [sflag:$0x3] =	stream.linear.gather [hbm4b:s5+s2], $0x200, $0x38;
	[tilespmem:$0x10E00] =	vst v63  }
0x17: {  	_ =	swait.ge [sflag:s12], $0x200  }
0x18: {  	[sflag:s12] =	ssyncset.done $0x0  }
0x19: {  	s19 =	simm.s32 $0x40;
	s20 =	simm.s32 $0x0;
	[sflag:s12] =	ssyncadd.s32 $0xFFFFFE00  }
.LBB2_2:
0x1a: {  	p0 =	sne.s32 s19, $0x7C0;
	[tilespmem:s20+$0x10A00] =	vst v0;
	s21 =	smov.u32 s19;
	s19 =	sadd.s32 $0x40, s19  }
.Ltmp2:
0x1b: {  	[tilespmem:s20+$0x10C00] =	vst v0;
	(pc) =	sbr.rel @p0 .LBB2_2-.Ltmp2, $2  }
0x1c: {  	_ =	sdelay $0x2  }
0x1d: {  	s20 =	sshra.s32 s21, $0x2  }
0x1e: {  	[tilespmem:s20+$0x10A00] =	vst v0  }
0x1f: {  	[tilespmem:s20+$0x10C00] =	vst v0;
	s19 =	simm.s32 $0x0  }
0x20: {  	[tilespmem:s19], [sflag:$0x1] =	stream.linear.gather [hbm4b:s6+s19], $0x8400, $0x38;
	[tilespmem:$0x10E00] =	vst v63  }
0x21: {  	_ = 	snop  }
0x22: {  	[tilespmem:s13], [sflag:$0x2] =	stream.linear.gather [hbm4b:s7+s19], $0x8400, $0x38;
	[tilespmem:$0x10E00] =	vst v63  }
.LBB2_4:
0x23: {  	s20 =	sshll.u32 s19, $0x1  }
0x24: {  	s21 =	sand.u32 $0x6, s20  }
0x25: {  	_ =	swait.ge [sflag:s14], $0x8400;
	s31 =	sshll.u32 s19, $0x5;
	s22 =	smul.u32 $0x1080, s21  }
0x26: {  	[sflag:s14] =	ssyncset.done $0x0;
	s21 =	sand.u32 $0x180, s31  }
0x27: {  	s23 =	simm.s32 $0x40;
	s24 =	simm.s32 $0x0;
	[sflag:s14] =	ssyncadd.s32 $0xFFFF7C00;
	v3 =	vmov s21;
	v4 =	vor.u32 s22, v1  }
.LBB2_5:
0x28: {  	v6 =	vmov s23;
	_ =	sdelay $0x3  }
0x29: {  	s25 =	simm.s32 $0x0  }
0x2a: {  	v9 =	vld.idx.msk [tilespmem:v6+s25+$0xFFFFFFC0 ss:$0x1], $0xffff;
	_ =	sdelay $0x1  }
0x2b: {  	v10 =	vld.idx.msk [tilespmem:v6+s25+$0xFFFFFFD0 ss:$0x1], $0xffff;
	_ =	sdelay $0x1  }
0x2c: {  	s28 =	sshll.u32 s24, $0x4;
	v14 =	vld.idx.msk [tilespmem:v6+s25+$0xFFFFFFE0 ss:$0x1], $0xffff  }
0x2d: {  	v5 =	vld.idx.msk [tilespmem:v3+s28+$0x10800 ss:$0x1], $0xffff;
	v7 =	vmul.f32 $1.442695020e+00, v9  }
0x2e: {  	v16 =	vld.idx.msk [tilespmem:v6+s25+$0xFFFFFFF0 ss:$0x1], $0xffff  }
0x2f: {  	v12 =	vld.idx.msk [tilespmem:v6+s25+$0x0 ss:$0x1], $0xffff;
	v11 =	vmul.f32 $1.442695020e+00, v10;
	(erf) = vpow2.f32 v7;
	_ =	sdelay $0x1  }
0x30: {  	v19 =	vadd.s32 $0x40, v4;
	v8 =	vld.idx.msk [tilespmem:v6+s25+$0x10 ss:$0x1], $0xffff;
	v15 =	vmul.f32 $1.442695020e+00, v14;
	(erf) = vpow2.f32 v11  }
0x31: {  	v13 =	vadd.s32 $0x70, v4;
	v18 =	vadd.s32 $0x20, v4;
	v21 =	vadd.s32 $0x10, v4;
	v17 =	vld.idx.msk [tilespmem:v3+s28+$0x10A00 ss:$0x1], $0xffff  }
0x32: {  	vm0 =	veq.s32 v4, v5;
	v20 =	vmul.f32 $1.442695020e+00, v16;
	v7 =	vld.idx.msk [tilespmem:v6+s25+$0x20 ss:$0x1], $0xffff;
	(erf) = vpow2.f32 v15  }
0x33: {  	vm2 =	veq.s32 v18, v5;
	v18 =	vmul.f32 $1.442695020e+00, v12;
	v11 =	vadd.s32 $0x30, v4;
	v15 =	vld.idx.msk [tilespmem:v3+s28+$0x10C00 ss:$0x1], $0xffff  }
0x34: {  	vm1 =	veq.s32 v11, v5;
	v11 =	vld.idx.msk [tilespmem:v6+s25+$0x30 ss:$0x1], $0xffff;
	(erf) = vpow2.f32 v20;
	v20 =	vsel vm0, $0x3F666677, v2  }
0x35: {  	vm0 =	veq.s32 v21, v5;
	v21 =	vmul.f32 $1.442695020e+00, v8;
	v9 =	vmul.f32 v9, v20  }
0x36: {  	v20 =	vsel vm0, $0x3F666677, v2;
	(erf) = vpow2.f32 v18;
	v18 =	vsel vm2, $0x3F666677, v2  }
0x37: {  	vm0 =	veq.s32 v19, v5;
	v10 =	vmul.f32 v10, v20;
	v20 =	vmul.f32 $1.442695020e+00, v7;
	v22 =	vpop (erf)  }
0x38: {  	v9 =	vadd.f32 v9, v15;
	(erf) = vpow2.f32 v21;
	v17 =	vadd.f32 v22, v17  }
0x39: {  	v14 =	vmul.f32 v14, v18;
	v15 =	vmul.f32 $1.442695020e+00, v11;
	v21 =	vsel vm1, $0x3F666677, v2;
	v18 =	vpop (erf)  }
0x3a: {  	s26 =	simm.s32 $0x400;
	(erf) = vpow2.f32 v20;
	v17 =	vadd.f32 v18, v17;
	v18 =	vadd.f32 v10, v9  }
0x3b: {  	s25 =	sadd.s32 s21, s28;
	s28 =	simm.s32 $0x2000;
	v19 =	vadd.s32 $0x50, v4;
	v16 =	vmul.f32 v16, v21;
	v20 =	vpop (erf);
	v9 =	vld.idx.msk [tilespmem:v6+s26+$0xFFFFFFC0 ss:$0x1], $0xffff;
	v10 =	vmov v4  }
.LBB2_6:
0x3c: {  	p0 =	sne.s32 s28, $0x20000;
	v17 =	vadd.f32 v20, v17;
	v14 =	vadd.f32 v14, v18;
	(erf) = vpow2.f32 v15  }
0x3d: {  	v18 =	vsel vm0, $0x3F666677, v2;
	vm0 =	veq.s32 v19, v5;
	v19 =	vadd.s32 $0x60, v10;
	v15 =	vld.idx.msk [tilespmem:v6+s26+$0xFFFFFFD0 ss:$0x1], $0xffff;
	v20 =	vpop (erf)  }
0x3e: {  	v12 =	vmul.f32 v12, v18;
	v17 =	vadd.f32 v20, v17;
	v14 =	vadd.f32 v16, v14  }
0x3f: {  	vm1 =	veq.s32 v13, v5;
	v18 =	vsel vm0, $0x3F666677, v2;
	vm0 =	veq.s32 v19, v5;
	v16 =	vld.idx.msk [tilespmem:v6+s26+$0xFFFFFFE0 ss:$0x1], $0xffff;
	v13 =	vpop (erf)  }
0x40: {  	v8 =	vmul.f32 v8, v18;
	v13 =	vadd.f32 v13, v17;
	v12 =	vadd.f32 v12, v14  }
0x41: {  	v21 =	vsel vm1, $0x3F666677, v2;
	v14 =	vmul.f32 $1.442695020e+00, v9;
	v17 =	vsel vm0, $0x3F666677, v2;
	v19 =	vpop (erf)  }
0x42: {  	v7 =	vmul.f32 v7, v17;
	v20 =	vld.idx.msk [tilespmem:v6+s26+$0xFFFFFFF0 ss:$0x1], $0xffff;
	v13 =	vadd.f32 v19, v13;
	v8 =	vadd.f32 v8, v12  }
0x43: {  	v11 =	vmul.f32 v11, v21;
	v17 =	vmul.f32 $1.442695020e+00, v15;
	v18 =	vpop (erf)  }
0x44: {  	v12 =	vld.idx.msk [tilespmem:v6+s26+$0x0 ss:$0x1], $0xffff;
	(erf) = vpow2.f32 v14;
	v13 =	vadd.f32 v18, v13;
	v7 =	vadd.f32 v7, v8  }
0x45: {  	v10 =	vadd.s32 $0x80, v10;
	v14 =	vmul.f32 $1.442695020e+00, v16;
	v8 =	vld.idx.msk [tilespmem:v6+s26+$0x10 ss:$0x1], $0xffff;
	v18 =	vpop (erf)  }
0x46: {  	(erf) = vpow2.f32 v17;
	v17 =	vadd.f32 v18, v13;
	v18 =	vadd.f32 v11, v7  }
0x47: {  	v19 =	vadd.s32 $0x40, v10;
	v11 =	vadd.s32 $0x30, v10;
	v13 =	vadd.s32 $0x70, v10;
	v7 =	vld.idx.msk [tilespmem:v6+s26+$0x20 ss:$0x1], $0xffff  }
0x48: {  	v21 =	vadd.s32 $0x20, v10;
	v22 =	vmul.f32 $1.442695020e+00, v20;
	(erf) = vpow2.f32 v14  }
0x49: {  	vm0 =	veq.s32 v10, v5;
	vm1 =	veq.s32 v11, v5;
	v14 =	vadd.s32 $0x10, v10;
	v11 =	vld.idx.msk [tilespmem:v6+s26+$0x30 ss:$0x1], $0xffff  }
0x4a: {  	vm2 =	veq.s32 v21, v5;
	v21 =	vmul.f32 $1.442695020e+00, v12;
	(erf) = vpow2.f32 v22  }
0x4b: {  	v22 =	vsel vm0, $0x3F666677, v2;
	vm0 =	veq.s32 v14, v5;
	v14 =	vmul.f32 $1.442695020e+00, v8  }
0x4c: {  	v9 =	vmul.f32 v9, v22;
	v22 =	vsel vm0, $0x3F666677, v2;
	(erf) = vpow2.f32 v21  }
.Ltmp3:
0x4d: {  	v21 =	vmul.f32 v15, v22;
	v15 =	vsel vm2, $0x3F666677, v2;
	v22 =	vmul.f32 $1.442695020e+00, v7;
	v23 =	vpop (erf);
	(pc) =	sbr.rel @p0 .LBB2_6-.Ltmp3, $4  }
0x4e: {  	v9 =	vadd.f32 v9, v18;
	v17 =	vadd.f32 v23, v17;
	(erf) = vpow2.f32 v14  }
0x4f: {  	v14 =	vmul.f32 v16, v15;
	v16 =	vsel vm1, $0x3F666677, v2;
	v15 =	vmul.f32 $1.442695020e+00, v11;
	v18 =	vpop (erf)  }
0x50: {  	s26 =	sshra.s32 s28, $0x2;
	v17 =	vadd.f32 v18, v17;
	v18 =	vadd.f32 v21, v9;
	(erf) = vpow2.f32 v22  }
0x51: {  	s28 =	sadd.s32 $0x1000, s28;
	vm0 =	veq.s32 v19, v5;
	v19 =	vadd.s32 $0x50, v10;
	v16 =	vmul.f32 v20, v16;
	v9 =	vld.idx.msk [tilespmem:v6+s26+$0xFFFFFFC0 ss:$0x1], $0xffff;
	v20 =	vpop (erf)  }
0x52: {  	_ = 	snop  }
0x53: {  	v17 =	vadd.f32 v20, v17  }
0x54: {  	v14 =	vadd.f32 v14, v18;
	(erf) = vpow2.f32 v15;
	v60 =	vsel vm0, $0x3F666677, v2  }
0x55: {  	vm6 =	veq.s32 v19, v5;
	v62 =	vadd.s32 $0x60, v10;
	vm1 =	veq.s32 v13, v5  }
0x56: {  	v59 =	vld.idx.msk [tilespmem:v6+s26+$0xFFFFFFD0 ss:$0x1], $0xffff;
	v34 =	vadd.s32 $0x80, v10;
	v12 =	vmul.f32 v12, v60;
	v21 =	vsel vm6, $0x3F666677, v2  }
0x57: {  	vm7 =	veq.s32 v62, v5;
	v29 =	vsel vm1, $0x3F666677, v2;
	v37 =	vadd.s32 $0x30, v34  }
0x58: {  	v63 =	vld.idx.msk [tilespmem:v6+s26+$0xFFFFFFE0 ss:$0x1], $0xffff;
	v61 =	vpop (erf);
	v38 =	vadd.s32 $0x40, v34;
	vm8 =	veq.s32 v34, v5;
	v41 =	vadd.s32 $0x20, v34  }
0x59: {  	v55 =	vadd.s32 $0x50, v34;
	v17 =	vadd.f32 v61, v17;
	v24 =	vmul.f32 $1.442695020e+00, v9  }
0x5a: {  	v27 =	vld.idx.msk [tilespmem:v6+s26+$0xFFFFFFF0 ss:$0x1], $0xffff;
	v14 =	vadd.f32 v16, v14;
	v8 =	vmul.f32 v8, v21;
	v11 =	vmul.f32 v11, v29  }
0x5b: {  	v25 =	vsel vm7, $0x3F666677, v2;
	v22 =	vpop (erf);
	v28 =	vmul.f32 $1.442695020e+00, v59;
	(erf) = vpow2.f32 v24  }
0x5c: {  	v31 =	vld.idx.msk [tilespmem:v6+s26+$0x0 ss:$0x1], $0xffff;
	v21 =	vadd.s32 $0x10, v34;
	vm10 =	veq.s32 v41, v5;
	v12 =	vadd.f32 v12, v14  }
0x5d: {  	v23 =	vadd.f32 v22, v17;
	v26 =	vpop (erf);
	v32 =	vmul.f32 $1.442695020e+00, v63;
	(erf) = vpow2.f32 v28  }
0x5e: {  	v33 =	vld.idx.msk [tilespmem:v6+s26+$0x10 ss:$0x1], $0xffff;
	vm11 =	veq.s32 v37, v5;
	v7 =	vmul.f32 v7, v25;
	v8 =	vadd.f32 v8, v12  }
0x5f: {  	v36 =	vmul.f32 $1.442695020e+00, v27;
	v13 =	vadd.f32 v26, v23;
	v30 =	vpop (erf);
	(erf) = vpow2.f32 v32  }
0x60: {  	v39 =	vld.idx.msk [tilespmem:v6+s26+$0x20 ss:$0x1], $0xffff;
	vm9 =	veq.s32 v21, v5;
	v22 =	vsel vm8, $0x3F666677, v2;
	v7 =	vadd.f32 v7, v8  }
0x61: {  	v40 =	vmul.f32 $1.442695020e+00, v31;
	v12 =	vadd.f32 v30, v13;
	(erf) = vpow2.f32 v36  }
0x62: {  	v6 =	vld.idx.msk [tilespmem:v6+s26+$0x30 ss:$0x1], $0xffff;
	v44 =	vsel vm9, $0x3F666677, v2;
	v43 =	vmul.f32 v9, v22;
	v35 =	vpop (erf);
	v7 =	vadd.f32 v11, v7  }
0x63: {  	v42 =	vmul.f32 $1.442695020e+00, v33;
	v12 =	vadd.f32 v35, v12;
	(erf) = vpow2.f32 v40  }
0x64: {  	v47 =	vsel vm10, $0x3F666677, v2;
	v15 =	vmul.f32 v59, v44;
	v7 =	vadd.f32 v43, v7;
	v45 =	vpop (erf)  }
0x65: {  	v46 =	vmul.f32 $1.442695020e+00, v39;
	(erf) = vpow2.f32 v42;
	v12 =	vadd.f32 v45, v12  }
0x66: {  	v52 =	vsel vm11, $0x3F666677, v2;
	v50 =	vmul.f32 v63, v47;
	v7 =	vadd.f32 v15, v7;
	v48 =	vpop (erf)  }
0x67: {  	v49 =	vmul.f32 $1.442695020e+00, v6;
	(erf) = vpow2.f32 v46;
	v9 =	vadd.f32 v48, v12  }
0x68: {  	vm12 =	veq.s32 v38, v5;
	v53 =	vmul.f32 v27, v52;
	v7 =	vadd.f32 v50, v7;
	v51 =	vpop (erf)  }
0x69: {  	v56 =	vsel vm12, $0x3F666677, v2;
	(erf) = vpow2.f32 v49;
	v9 =	vadd.f32 v51, v9  }
0x6a: {  	vm13 =	veq.s32 v55, v5;
	v57 =	vmul.f32 v31, v56;
	v54 =	vpop (erf);
	v7 =	vadd.f32 v53, v7  }
0x6b: {  	v60 =	vsel vm13, $0x3F666677, v2;
	v59 =	vadd.s32 $0x60, v34;
	v9 =	vadd.f32 v54, v9  }
0x6c: {  	vm14 =	veq.s32 v59, v5;
	v8 =	vmul.f32 v33, v60;
	v58 =	vpop (erf);
	v7 =	vadd.f32 v57, v7  }
0x6d: {  	v10 =	vadd.s32 $0x70, v34;
	v62 =	vsel vm14, $0x3F666677, v2;
	v9 =	vadd.f32 v58, v9  }
0x6e: {  	vm15 =	veq.s32 v10, v5;
	v5 =	vadd.f32 v8, v7;
	v7 =	vmul.f32 v39, v62;
	v61 =	vpop (erf)  }
0x6f: {  	s24 =	sadd.s32 $0x1, s24;
	v10 =	vsel vm15, $0x3F666677, v2;
	v9 =	vadd.f32 v61, v9  }
0x70: {  	p0 =	sne.s32 s24, $0x8;
	v6 =	vmul.f32 v6, v10;
	v5 =	vadd.f32 v7, v5;
	v63 =	vpop (erf)  }
.Ltmp4:
0x71: {  	v8 =	vadd.f32 v63, v9;
	(pc) =	sbr.rel @p0 .LBB2_5-.Ltmp4, $4  }
0x72: {  	v7 =	vpop (erf);
	v5 =	vadd.f32 v6, v5  }
0x73: {  	v7 =	vadd.f32 v7, v8  }
0x74: {  	[tilespmem:s25+$0x10C00] =	vst v5  }
0x75: {  	s23 =	sadd.s32 $0x80, s23;
	[tilespmem:s25+$0x10A00] =	vst v7  }
0x76: {  	p0 =	seq.s32 s19, $0xF  }
0x77: {  	s23 =	sadd.s32 @!p0 $0x2, s20  }
0x78: {  	s24 =	sshrl.u32 @!p0 s23, $0x3;
	s23 =	sand.u32 @!p0 $0x6, s23  }
0x79: {  	s24 =	sadd.s32 @!p0 s4, s24;
	s23 =	smul.u32 @!p0 $0x8400, s23  }
0x7a: {  	s24 =	smul.u32 @!p0 $0x42000, s24;
	_ =	sdelay $0x1  }
0x7b: {  	s23 =	sadd.s32 @!p0 s23, s24  }
0x7c: {  	s23 =	sshrl.u32 @!p0 s23, $0x3  }
0x7d: {  	s24 =	simm.s32 @!p0 $0x0;
	s23 =	sadd.s32 @!p0 s3, s23  }
0x7e: {  	[tilespmem:s24], [sflag:$0x1] =	stream.linear.gather @!p0 [hbm4b:s23+s24], $0x8400, $0x38;
	[tilespmem:$0x10E00] =	vst v63  }
0x7f: {  	_ =	swait.ge [sflag:s15], $0x8400  }
0x80: {  	s22 =	sadd.s32 $0x1080, s22;
	[sflag:s15] =	ssyncset.done $0x0  }
0x81: {  	v4 =	vor.u32 s22, v1;
	s22 =	simm.s32 $0x0;
	s23 =	simm.s32 $0x8440;
	[sflag:s15] =	ssyncadd.s32 $0xFFFF7C00  }
.LBB2_9:
0x82: {  	v6 =	vmov s23;
	_ =	sdelay $0x3  }
0x83: {  	s24 =	simm.s32 $0x0  }
0x84: {  	v9 =	vld.idx.msk [tilespmem:v6+s24+$0xFFFFFFC0 ss:$0x1], $0xffff;
	_ =	sdelay $0x1  }
0x85: {  	v10 =	vld.idx.msk [tilespmem:v6+s24+$0xFFFFFFD0 ss:$0x1], $0xffff;
	_ =	sdelay $0x1  }
0x86: {  	s26 =	sshll.u32 s22, $0x4;
	v14 =	vld.idx.msk [tilespmem:v6+s24+$0xFFFFFFE0 ss:$0x1], $0xffff  }
0x87: {  	v5 =	vld.idx.msk [tilespmem:v3+s26+$0x10800 ss:$0x1], $0xffff;
	v7 =	vmul.f32 $1.442695020e+00, v9  }
0x88: {  	v16 =	vld.idx.msk [tilespmem:v6+s24+$0xFFFFFFF0 ss:$0x1], $0xffff  }
0x89: {  	v12 =	vld.idx.msk [tilespmem:v6+s24+$0x0 ss:$0x1], $0xffff;
	v11 =	vmul.f32 $1.442695020e+00, v10;
	(erf) = vpow2.f32 v7;
	_ =	sdelay $0x1  }
0x8a: {  	v19 =	vadd.s32 $0x40, v4;
	v8 =	vld.idx.msk [tilespmem:v6+s24+$0x10 ss:$0x1], $0xffff;
	v15 =	vmul.f32 $1.442695020e+00, v14;
	(erf) = vpow2.f32 v11  }
0x8b: {  	v13 =	vadd.s32 $0x70, v4;
	v18 =	vadd.s32 $0x20, v4;
	v21 =	vadd.s32 $0x10, v4;
	v17 =	vld.idx.msk [tilespmem:v3+s26+$0x10A00 ss:$0x1], $0xffff  }
0x8c: {  	vm0 =	veq.s32 v4, v5;
	v20 =	vmul.f32 $1.442695020e+00, v16;
	v7 =	vld.idx.msk [tilespmem:v6+s24+$0x20 ss:$0x1], $0xffff;
	(erf) = vpow2.f32 v15  }
0x8d: {  	vm2 =	veq.s32 v18, v5;
	v18 =	vmul.f32 $1.442695020e+00, v12;
	v11 =	vadd.s32 $0x30, v4;
	v15 =	vld.idx.msk [tilespmem:v3+s26+$0x10C00 ss:$0x1], $0xffff  }
0x8e: {  	vm1 =	veq.s32 v11, v5;
	v11 =	vld.idx.msk [tilespmem:v6+s24+$0x30 ss:$0x1], $0xffff;
	(erf) = vpow2.f32 v20;
	v20 =	vsel vm0, $0x3F666677, v2  }
0x8f: {  	vm0 =	veq.s32 v21, v5;
	v21 =	vmul.f32 $1.442695020e+00, v8;
	v9 =	vmul.f32 v9, v20  }
0x90: {  	v20 =	vsel vm0, $0x3F666677, v2;
	(erf) = vpow2.f32 v18;
	v18 =	vsel vm2, $0x3F666677, v2  }
0x91: {  	vm0 =	veq.s32 v19, v5;
	v10 =	vmul.f32 v10, v20;
	v20 =	vmul.f32 $1.442695020e+00, v7;
	v22 =	vpop (erf)  }
0x92: {  	v9 =	vadd.f32 v9, v15;
	(erf) = vpow2.f32 v21;
	v17 =	vadd.f32 v22, v17  }
0x93: {  	v14 =	vmul.f32 v14, v18;
	v15 =	vmul.f32 $1.442695020e+00, v11;
	v21 =	vsel vm1, $0x3F666677, v2;
	v18 =	vpop (erf)  }
0x94: {  	s25 =	simm.s32 $0x400;
	(erf) = vpow2.f32 v20;
	v17 =	vadd.f32 v18, v17;
	v18 =	vadd.f32 v10, v9  }
0x95: {  	s24 =	sadd.s32 s21, s26;
	s26 =	simm.s32 $0x2000;
	v19 =	vadd.s32 $0x50, v4;
	v16 =	vmul.f32 v16, v21;
	v20 =	vpop (erf);
	v9 =	vld.idx.msk [tilespmem:v6+s25+$0xFFFFFFC0 ss:$0x1], $0xffff;
	v10 =	vmov v4  }
.LBB2_10:
0x96: {  	p1 =	sne.s32 s26, $0x20000;
	v17 =	vadd.f32 v20, v17;
	v14 =	vadd.f32 v14, v18;
	(erf) = vpow2.f32 v15  }
0x97: {  	v18 =	vsel vm0, $0x3F666677, v2;
	vm0 =	veq.s32 v19, v5;
	v19 =	vadd.s32 $0x60, v10;
	v15 =	vld.idx.msk [tilespmem:v6+s25+$0xFFFFFFD0 ss:$0x1], $0xffff;
	v20 =	vpop (erf)  }
0x98: {  	v12 =	vmul.f32 v12, v18;
	v17 =	vadd.f32 v20, v17;
	v14 =	vadd.f32 v16, v14  }
0x99: {  	vm1 =	veq.s32 v13, v5;
	v18 =	vsel vm0, $0x3F666677, v2;
	vm0 =	veq.s32 v19, v5;
	v16 =	vld.idx.msk [tilespmem:v6+s25+$0xFFFFFFE0 ss:$0x1], $0xffff;
	v13 =	vpop (erf)  }
0x9a: {  	v8 =	vmul.f32 v8, v18;
	v13 =	vadd.f32 v13, v17;
	v12 =	vadd.f32 v12, v14  }
0x9b: {  	v21 =	vsel vm1, $0x3F666677, v2;
	v14 =	vmul.f32 $1.442695020e+00, v9;
	v17 =	vsel vm0, $0x3F666677, v2;
	v19 =	vpop (erf)  }
0x9c: {  	v7 =	vmul.f32 v7, v17;
	v20 =	vld.idx.msk [tilespmem:v6+s25+$0xFFFFFFF0 ss:$0x1], $0xffff;
	v13 =	vadd.f32 v19, v13;
	v8 =	vadd.f32 v8, v12  }
0x9d: {  	v11 =	vmul.f32 v11, v21;
	v17 =	vmul.f32 $1.442695020e+00, v15;
	v18 =	vpop (erf)  }
0x9e: {  	v12 =	vld.idx.msk [tilespmem:v6+s25+$0x0 ss:$0x1], $0xffff;
	(erf) = vpow2.f32 v14;
	v13 =	vadd.f32 v18, v13;
	v7 =	vadd.f32 v7, v8  }
0x9f: {  	v10 =	vadd.s32 $0x80, v10;
	v14 =	vmul.f32 $1.442695020e+00, v16;
	v8 =	vld.idx.msk [tilespmem:v6+s25+$0x10 ss:$0x1], $0xffff;
	v18 =	vpop (erf)  }
0xa0: {  	(erf) = vpow2.f32 v17;
	v17 =	vadd.f32 v18, v13;
	v18 =	vadd.f32 v11, v7  }
0xa1: {  	v19 =	vadd.s32 $0x40, v10;
	v11 =	vadd.s32 $0x30, v10;
	v13 =	vadd.s32 $0x70, v10;
	v7 =	vld.idx.msk [tilespmem:v6+s25+$0x20 ss:$0x1], $0xffff  }
0xa2: {  	v21 =	vadd.s32 $0x20, v10;
	v22 =	vmul.f32 $1.442695020e+00, v20;
	(erf) = vpow2.f32 v14  }
0xa3: {  	vm0 =	veq.s32 v10, v5;
	vm1 =	veq.s32 v11, v5;
	v14 =	vadd.s32 $0x10, v10;
	v11 =	vld.idx.msk [tilespmem:v6+s25+$0x30 ss:$0x1], $0xffff  }
0xa4: {  	vm2 =	veq.s32 v21, v5;
	v21 =	vmul.f32 $1.442695020e+00, v12;
	(erf) = vpow2.f32 v22  }
0xa5: {  	v22 =	vsel vm0, $0x3F666677, v2;
	vm0 =	veq.s32 v14, v5;
	v14 =	vmul.f32 $1.442695020e+00, v8  }
0xa6: {  	v9 =	vmul.f32 v9, v22;
	v22 =	vsel vm0, $0x3F666677, v2;
	(erf) = vpow2.f32 v21  }
.Ltmp5:
0xa7: {  	v21 =	vmul.f32 v15, v22;
	v15 =	vsel vm2, $0x3F666677, v2;
	v22 =	vmul.f32 $1.442695020e+00, v7;
	v23 =	vpop (erf);
	(pc) =	sbr.rel @p1 .LBB2_10-.Ltmp5, $4  }
0xa8: {  	v9 =	vadd.f32 v9, v18;
	v17 =	vadd.f32 v23, v17;
	(erf) = vpow2.f32 v14  }
0xa9: {  	v14 =	vmul.f32 v16, v15;
	v16 =	vsel vm1, $0x3F666677, v2;
	v15 =	vmul.f32 $1.442695020e+00, v11;
	v18 =	vpop (erf)  }
0xaa: {  	s25 =	sshra.s32 s26, $0x2;
	v17 =	vadd.f32 v18, v17;
	v18 =	vadd.f32 v21, v9;
	(erf) = vpow2.f32 v22  }
0xab: {  	s26 =	sadd.s32 $0x1000, s26;
	vm0 =	veq.s32 v19, v5;
	v19 =	vadd.s32 $0x50, v10;
	v16 =	vmul.f32 v20, v16;
	v9 =	vld.idx.msk [tilespmem:v6+s25+$0xFFFFFFC0 ss:$0x1], $0xffff;
	v20 =	vpop (erf)  }
0xac: {  	_ = 	snop  }
0xad: {  	v17 =	vadd.f32 v20, v17  }
0xae: {  	v14 =	vadd.f32 v14, v18;
	(erf) = vpow2.f32 v15;
	v60 =	vsel vm0, $0x3F666677, v2  }
0xaf: {  	vm6 =	veq.s32 v19, v5;
	v62 =	vadd.s32 $0x60, v10;
	vm1 =	veq.s32 v13, v5  }
0xb0: {  	v59 =	vld.idx.msk [tilespmem:v6+s25+$0xFFFFFFD0 ss:$0x1], $0xffff;
	v34 =	vadd.s32 $0x80, v10;
	v12 =	vmul.f32 v12, v60;
	v21 =	vsel vm6, $0x3F666677, v2  }
0xb1: {  	vm7 =	veq.s32 v62, v5;
	v29 =	vsel vm1, $0x3F666677, v2;
	v37 =	vadd.s32 $0x30, v34  }
0xb2: {  	v63 =	vld.idx.msk [tilespmem:v6+s25+$0xFFFFFFE0 ss:$0x1], $0xffff;
	v61 =	vpop (erf);
	v38 =	vadd.s32 $0x40, v34;
	vm8 =	veq.s32 v34, v5;
	v41 =	vadd.s32 $0x20, v34  }
0xb3: {  	v55 =	vadd.s32 $0x50, v34;
	v17 =	vadd.f32 v61, v17;
	v24 =	vmul.f32 $1.442695020e+00, v9  }
0xb4: {  	v27 =	vld.idx.msk [tilespmem:v6+s25+$0xFFFFFFF0 ss:$0x1], $0xffff;
	v14 =	vadd.f32 v16, v14;
	v8 =	vmul.f32 v8, v21;
	v11 =	vmul.f32 v11, v29  }
0xb5: {  	v25 =	vsel vm7, $0x3F666677, v2;
	v22 =	vpop (erf);
	v28 =	vmul.f32 $1.442695020e+00, v59;
	(erf) = vpow2.f32 v24  }
0xb6: {  	v31 =	vld.idx.msk [tilespmem:v6+s25+$0x0 ss:$0x1], $0xffff;
	v21 =	vadd.s32 $0x10, v34;
	vm10 =	veq.s32 v41, v5;
	v12 =	vadd.f32 v12, v14  }
0xb7: {  	v23 =	vadd.f32 v22, v17;
	v26 =	vpop (erf);
	v32 =	vmul.f32 $1.442695020e+00, v63;
	(erf) = vpow2.f32 v28  }
0xb8: {  	v33 =	vld.idx.msk [tilespmem:v6+s25+$0x10 ss:$0x1], $0xffff;
	vm11 =	veq.s32 v37, v5;
	v7 =	vmul.f32 v7, v25;
	v8 =	vadd.f32 v8, v12  }
0xb9: {  	v36 =	vmul.f32 $1.442695020e+00, v27;
	v13 =	vadd.f32 v26, v23;
	v30 =	vpop (erf);
	(erf) = vpow2.f32 v32  }
0xba: {  	v39 =	vld.idx.msk [tilespmem:v6+s25+$0x20 ss:$0x1], $0xffff;
	vm9 =	veq.s32 v21, v5;
	v22 =	vsel vm8, $0x3F666677, v2;
	v7 =	vadd.f32 v7, v8  }
0xbb: {  	v40 =	vmul.f32 $1.442695020e+00, v31;
	v12 =	vadd.f32 v30, v13;
	(erf) = vpow2.f32 v36  }
0xbc: {  	v6 =	vld.idx.msk [tilespmem:v6+s25+$0x30 ss:$0x1], $0xffff;
	v44 =	vsel vm9, $0x3F666677, v2;
	v43 =	vmul.f32 v9, v22;
	v35 =	vpop (erf);
	v7 =	vadd.f32 v11, v7  }
0xbd: {  	v42 =	vmul.f32 $1.442695020e+00, v33;
	v12 =	vadd.f32 v35, v12;
	(erf) = vpow2.f32 v40  }
0xbe: {  	v47 =	vsel vm10, $0x3F666677, v2;
	v15 =	vmul.f32 v59, v44;
	v7 =	vadd.f32 v43, v7;
	v45 =	vpop (erf)  }
0xbf: {  	v46 =	vmul.f32 $1.442695020e+00, v39;
	(erf) = vpow2.f32 v42;
	v12 =	vadd.f32 v45, v12  }
0xc0: {  	v52 =	vsel vm11, $0x3F666677, v2;
	v50 =	vmul.f32 v63, v47;
	v7 =	vadd.f32 v15, v7;
	v48 =	vpop (erf)  }
0xc1: {  	v49 =	vmul.f32 $1.442695020e+00, v6;
	(erf) = vpow2.f32 v46;
	v9 =	vadd.f32 v48, v12  }
0xc2: {  	vm12 =	veq.s32 v38, v5;
	v53 =	vmul.f32 v27, v52;
	v7 =	vadd.f32 v50, v7;
	v51 =	vpop (erf)  }
0xc3: {  	v56 =	vsel vm12, $0x3F666677, v2;
	(erf) = vpow2.f32 v49;
	v9 =	vadd.f32 v51, v9  }
0xc4: {  	vm13 =	veq.s32 v55, v5;
	v57 =	vmul.f32 v31, v56;
	v54 =	vpop (erf);
	v7 =	vadd.f32 v53, v7  }
0xc5: {  	v60 =	vsel vm13, $0x3F666677, v2;
	v59 =	vadd.s32 $0x60, v34;
	v9 =	vadd.f32 v54, v9  }
0xc6: {  	vm14 =	veq.s32 v59, v5;
	v8 =	vmul.f32 v33, v60;
	v58 =	vpop (erf);
	v7 =	vadd.f32 v57, v7  }
0xc7: {  	v10 =	vadd.s32 $0x70, v34;
	v62 =	vsel vm14, $0x3F666677, v2;
	v9 =	vadd.f32 v58, v9  }
0xc8: {  	vm15 =	veq.s32 v10, v5;
	v5 =	vadd.f32 v8, v7;
	v7 =	vmul.f32 v39, v62;
	v61 =	vpop (erf)  }
0xc9: {  	s22 =	sadd.s32 $0x1, s22;
	v10 =	vsel vm15, $0x3F666677, v2;
	v9 =	vadd.f32 v61, v9  }
0xca: {  	p1 =	sne.s32 s22, $0x8;
	v6 =	vmul.f32 v6, v10;
	v5 =	vadd.f32 v7, v5;
	v63 =	vpop (erf)  }
.Ltmp6:
0xcb: {  	v8 =	vadd.f32 v63, v9;
	(pc) =	sbr.rel @p1 .LBB2_9-.Ltmp6, $4  }
0xcc: {  	v7 =	vpop (erf);
	v5 =	vadd.f32 v6, v5  }
0xcd: {  	v7 =	vadd.f32 v7, v8  }
0xce: {  	[tilespmem:s24+$0x10C00] =	vst v5  }
0xcf: {  	s23 =	sadd.s32 $0x80, s23;
	[tilespmem:s24+$0x10A00] =	vst v7  }
.Ltmp7:
0xd0: {  	(pc) =	sbr.rel @p0 .LBB2_14-.Ltmp7, $1  }
0xd1: {  	_ =	sdelay $0x3  }
0xd2: {  	s20 =	sadd.s32 $0x3, s20  }
0xd3: {  	s21 =	sshrl.u32 s20, $0x3;
	s20 =	sand.u32 $0x7, s20  }
0xd4: {  	s21 =	sadd.s32 s4, s21;
	s20 =	smul.u32 $0x8400, s20  }
0xd5: {  	s21 =	smul.u32 $0x42000, s21  }
.Ltmp8:
0xd6: {  	_ = 	snop;
	(pc) =	sbr.rel .LBB2_4-.Ltmp8, $4  }
0xd7: {  	s20 =	sadd.s32 s20, s21  }
0xd8: {  	s20 =	sshrl.u32 s20, $0x3  }
0xd9: {  	s19 =	sadd.s32 $0x1, s19;
	s20 =	sadd.s32 s3, s20  }
0xda: {  	[tilespmem:s13], [sflag:$0x2] =	stream.linear.gather [hbm4b:s20+s2], $0x8400, $0x38;
	[tilespmem:$0x10E00] =	vst v63  }
.LBB2_15:
0xdb: {  	_ =	sfence.sel $0x180000  }
0xdc: {  	[bflag:$0x0] =	sbarrier.arrive $0xFFFF  }
0xdd: {  	p0 =	sne.s32 s1, $0x0;
	_ =	strace $0x90000047  }
0xde: {  	s0 =	sadd.s32 @!p0 $0x100000, s0;
	[bflag:$0x2] =	sbarrier.arrive $0xFFFF  }
0xdf: {  	[sflag:s0] =	ssyncadd.tile.s32 @!p0 $0x1;
	_ =	shalt  }
.Lfunc_end2:
_tile_overlayer_lowered:
.L_overlay_start_2:
0xe0: {  	(tag) =	ssettag $0x2  }
0xe1: {  	s0 =	rddreg [dreg:$0x0];
	s2 =	stileid.u32  }
0xe2: {  	s1 =	rddreg [dreg:$0x1];
	p0 =	sne.s32 s2, $0x0  }
0xe3: {  	s3 =	rddreg [dreg:$0x2];
	[bflag:$0x3] =	sbarrier.arrive $0xFFFF;
	s2 =	simm.s32 @!p0 $0x1C03  }
0xe4: {  	[timem:s3], [sflag:s2] =	dma.local @!p0 [hbm:s0], s1  }
0xe5: {  	s0 =	simm.s32 @!p0 $0x3  }
0xe6: {  	_ =	swait.ge @!p0 [sflag:s0], s1  }
0xe7: {  	s1 =	ssub.s32 @!p0 $0x0, s1;
	[sflag:s0] =	ssyncset.done @!p0 $0x0  }
0xe8: {  	[sflag:s0] =	ssyncadd.s32 @!p0 s1  }
0xe9: {  	[bflag:$0x3] =	sbarrier.arrive $0xFFFF  }
0xea: {  	_ =	shalt  }

</sc_bundles>
